<compile_context>
chip_gen: v7x
topology: tpu7x:2x2x1
jax: 0.10.2.dev20260603
libtpu: 0.0.44.dev20260713+nightly
codegen_flags: <defaults>
</compile_context>

<pallas_src>
import jax
import jax.numpy as jnp
from jax import lax
from jax.experimental import pallas as pl
from jax.experimental.pallas import tpu as pltpu
import jax.experimental.pallas.tpu_sc as plsc

_N_NODES = 10000
_E = 160000
_NC = 2
_NS = 16
_CHUNK = 128
_W = 128
_NBUF = 2
_E_PAD = -(-_E // (_NC * _NS * _CHUNK * _NBUF)) * (_NC * _NS * _CHUNK * _NBUF)
_NCH1 = _E_PAD // (_NS * _CHUNK)
_NCH2 = _E_PAD // (_NC * _NS * _CHUNK)
_N_PAD = 10240
_RPT = _N_PAD // _NS
_RB = 512

_MESH = plsc.VectorSubcoreMesh(core_axis_name="c", subcore_axis_name="s")


def _fill(ref, n, value16):
    @pl.loop(0, n // 16)
    def _(i):
        ref[pl.ds(i * 16, 16)] = value16


def _zero_block(buf):
    zeros16 = jnp.zeros((16,), jnp.float32)

    @pl.loop(0, _CHUNK)
    def _(r):
        @pl.loop(0, _W // 16)
        def _(k):
            buf[r, pl.ds(k * 16, 16)] = zeros16


def _sc_agg(nch, two_tables, with_count):
    out_type = [jax.ShapeDtypeStruct((_N_PAD, _W), jnp.float32),
                jax.ShapeDtypeStruct((_N_PAD, _W), jnp.float32)]
    if with_count:
        out_type += [jax.ShapeDtypeStruct((_N_PAD,), jnp.float32),
                     jax.ShapeDtypeStruct((_N_PAD,), jnp.float32)]
    scratch = (
        [pltpu.VMEM((nch, _CHUNK), jnp.int32)]
        + [pltpu.VMEM((_CHUNK, _W), jnp.float32)] * _NBUF
        + [pltpu.VMEM((_CHUNK,), jnp.int32)] * _NBUF
        + [pltpu.VMEM((_CHUNK,), jnp.int32)] * _NBUF
        + [pltpu.VMEM_SHARED((_N_PAD, _W), jnp.float32)]
        + [pltpu.SemaphoreType.DMA] * (2 * _NBUF)
    )
    if with_count:
        scratch += [
            pltpu.VMEM((_CHUNK,), jnp.float32),
            pltpu.VMEM((128,), jnp.float32),
            pltpu.VMEM_SHARED((_N_PAD,), jnp.float32),
        ]

    def body(*args):
        n_in = 3 if two_tables else 2
        n_out = 4 if with_count else 2
        ins, outs, refs = (args[:n_in], args[n_in:n_in + n_out],
                           list(args[n_in + n_out:]))
        packed_hbm = ins[0]
        packed_v = refs.pop(0)
        rows = [refs.pop(0) for _ in range(_NBUF)]
        srcu = [refs.pop(0) for _ in range(_NBUF)]
        dstu = [refs.pop(0) for _ in range(_NBUF)]
        acc_sh = refs.pop(0)
        sem_g = [refs.pop(0) for _ in range(_NBUF)]
        sem_s = [refs.pop(0) for _ in range(_NBUF)]
        if with_count:
            ones_v, zrow_v, cnt_sh = refs

        c = lax.axis_index("c")
        s = lax.axis_index("s")
        base = s * _RPT
        zeros16 = jnp.zeros((16,), jnp.float32)

        if two_tables:
            pltpu.sync_copy(packed_hbm.at[s], packed_v)
        else:
            pltpu.sync_copy(packed_hbm.at[c, s], packed_v)

        _zero_block(rows[0])

        @pl.loop(0, _RPT // _CHUNK)
        def _(i):
            pltpu.sync_copy(rows[0],
                            acc_sh.at[pl.ds(base + i * _CHUNK, _CHUNK)])

        if with_count:
            _fill(zrow_v, 128, zeros16)
            _fill(ones_v, _CHUNK, jnp.ones((16,), jnp.float32))

            @pl.loop(0, _RPT // 128)
            def _(i):
                pltpu.sync_copy(zrow_v, cnt_sh.at[pl.ds(base + i * 128, 128)])

        def unpack(j, b):
            @pl.loop(0, _CHUNK // 16)
            def _(k):
                pv = packed_v[j, pl.ds(k * 16, 16)]
                srcu[b][pl.ds(k * 16, 16)] = pv & 0xFFFF
                dstu[b][pl.ds(k * 16, 16)] = lax.shift_right_logical(pv, 16)

        def start_gather(j, b):
            del j
            if two_tables:
                @pl.when(c == 0)
                def _():
                    pltpu.async_copy(ins[1].at[srcu[b]], rows[b], sem_g[b])

                @pl.when(c == 1)
                def _():
                    pltpu.async_copy(ins[2].at[srcu[b]], rows[b], sem_g[b])
            else:
                pltpu.async_copy(ins[1].at[srcu[b]], rows[b], sem_g[b])

        half = nch // 2

        for b in range(_NBUF):
            unpack(b, b)
            start_gather(b, b)

        plsc.subcore_barrier()

        @pl.loop(0, nch // _NBUF)
        def _(i):
            for b in range(_NBUF):
                j = i * _NBUF + b
                pltpu.make_async_copy(ins[1].at[srcu[b]], rows[b],
                                      sem_g[b]).wait()
                pltpu.async_copy(rows[b], acc_sh.at[dstu[b]], sem_s[b],
                                 add=True)
                if with_count:
                    mine = jnp.where(c == 0, j < half, j >= half)

                    @pl.when(mine)
                    def _():
                        pltpu.sync_copy(ones_v, cnt_sh.at[dstu[b]], add=True)

                @pl.when(j + _NBUF < nch)
                def _():
                    pltpu.make_async_copy(rows[b], acc_sh.at[dstu[b]],
                                          sem_s[b]).wait()
                    unpack(j + _NBUF, b)
                    start_gather(j + _NBUF, b)

        for b in range(_NBUF):
            pltpu.make_async_copy(rows[b], acc_sh.at[dstu[b]],
                                  sem_s[b]).wait()

        plsc.subcore_barrier()

        @pl.when(c == 0)
        def _():
            pltpu.sync_copy(acc_sh.at[pl.ds(base, _RPT)],
                            outs[0].at[pl.ds(base, _RPT)])

        @pl.when(c == 1)
        def _():
            pltpu.sync_copy(acc_sh.at[pl.ds(base, _RPT)],
                            outs[1].at[pl.ds(base, _RPT)])

        if with_count:
            @pl.when(c == 0)
            def _():
                pltpu.sync_copy(cnt_sh.at[pl.ds(base, _RPT)],
                                outs[2].at[pl.ds(base, _RPT)])

            @pl.when(c == 1)
            def _():
                pltpu.sync_copy(cnt_sh.at[pl.ds(base, _RPT)],
                                outs[3].at[pl.ds(base, _RPT)])

    return pl.kernel(body, out_type=tuple(out_type), mesh=_MESH,
                     scratch_types=scratch)


def _tc_a_body(a0_ref, a1_ref, c0_ref, c1_ref, x_ref, w1la_ref, w1lb_ref,
               w1r_ref, w2l_ref, w2r_ref, b2_ref, g_ref, r_ref):
    inv = 1.0 / jnp.maximum(c0_ref[...] + c1_ref[...], 1.0)
    a0 = a0_ref[...] * inv
    a1 = a1_ref[...] * inv
    h = (jnp.dot(a0, w1la_ref[...], preferred_element_type=jnp.float32)
         + jnp.dot(a1, w1lb_ref[...], preferred_element_type=jnp.float32)
         + jnp.dot(x_ref[...], w1r_ref[...], preferred_element_type=jnp.float32))
    h = jnp.maximum(h, 0.0)
    g = jnp.dot(h, w2l_ref[...], preferred_element_type=jnp.float32)
    g_ref[...] = jnp.concatenate(
        [g, jnp.zeros((g.shape[0], _W - g.shape[1]), jnp.float32)], axis=1)
    r_ref[...] = (jnp.dot(h, w2r_ref[...], preferred_element_type=jnp.float32)
                  + b2_ref[...])


def _tc_a(agg0, agg1, cnt0, cnt1, x, w1la, w1lb, w1r, w2l, w2r, b2r):
    grid = (-(-_N_NODES // _RB),)
    f = pl.pallas_call(
        _tc_a_body,
        grid=grid,
        in_specs=[
            pl.BlockSpec((_RB, 128), lambda i: (i, 0)),
            pl.BlockSpec((_RB, 128), lambda i: (i, 0)),
            pl.BlockSpec((_RB, 1), lambda i: (i, 0)),
            pl.BlockSpec((_RB, 1), lambda i: (i, 0)),
            pl.BlockSpec((_RB, 256), lambda i: (i, 0)),
            pl.BlockSpec((128, 256), lambda i: (0, 0)),
            pl.BlockSpec((128, 256), lambda i: (0, 0)),
            pl.BlockSpec((256, 256), lambda i: (0, 0)),
            pl.BlockSpec((256, 64), lambda i: (0, 0)),
            pl.BlockSpec((256, 64), lambda i: (0, 0)),
            pl.BlockSpec((1, 64), lambda i: (0, 0)),
        ],
        out_specs=[
            pl.BlockSpec((_RB, _W), lambda i: (i, 0)),
            pl.BlockSpec((_RB, 64), lambda i: (i, 0)),
        ],
        out_shape=[
            jax.ShapeDtypeStruct((_N_NODES, _W), jnp.float32),
            jax.ShapeDtypeStruct((_N_NODES, 64), jnp.float32),
        ],
    )
    return f(agg0, agg1, cnt0, cnt1, x, w1la, w1lb, w1r, w2l, w2r, b2r)


def _tc_b_body(a0_ref, a1_ref, c0_ref, c1_ref, r_ref, o_ref):
    inv = 1.0 / jnp.maximum(c0_ref[...] + c1_ref[...], 1.0)
    agg = (a0_ref[...] + a1_ref[...])[:, :64]
    o_ref[...] = agg * inv + r_ref[...]


def _tc_b(a20, a21, cnt0, cnt1, r):
    grid = (-(-_N_NODES // _RB),)
    f = pl.pallas_call(
        _tc_b_body,
        grid=grid,
        in_specs=[
            pl.BlockSpec((_RB, _W), lambda i: (i, 0)),
            pl.BlockSpec((_RB, _W), lambda i: (i, 0)),
            pl.BlockSpec((_RB, 1), lambda i: (i, 0)),
            pl.BlockSpec((_RB, 1), lambda i: (i, 0)),
            pl.BlockSpec((_RB, 64), lambda i: (i, 0)),
        ],
        out_specs=pl.BlockSpec((_RB, 64), lambda i: (i, 0)),
        out_shape=jax.ShapeDtypeStruct((_N_NODES, 64), jnp.float32),
    )
    return f(a20, a21, cnt0, cnt1, r)


_agg_l1 = _sc_agg(_NCH1, True, True)
_agg_l2 = _sc_agg(_NCH2, False, False)


def kernel(x, edge_index, W1_l, W1_r, W2_l, W2_r, b2):
    src = edge_index[0]
    dst = edge_index[1]
    pad = _E_PAD - _E
    packed = src | dst << 16
    packed = jnp.concatenate(
        [packed,
         jnp.full((pad,), _N_NODES << 16, jnp.int32)])
    pk1 = packed.reshape(_NS, _NCH1, _CHUNK)
    pk2 = packed.reshape(_NC, _NS, _NCH2, _CHUNK)
    x0 = x[:, :128]
    x1 = x[:, 128:]

    agg0, agg1, cnt0, cnt1 = _agg_l1(pk1, x0, x1)
    cnt0 = cnt0.reshape(_N_PAD, 1)
    cnt1 = cnt1.reshape(_N_PAD, 1)

    g, r = _tc_a(agg0, agg1, cnt0, cnt1, x, W1_l[:128], W1_l[128:], W1_r,
                 W2_l, W2_r, b2.reshape(1, 64))

    a20, a21 = _agg_l2(pk2, g)

    return _tc_b(a20, a21, cnt0, cnt1, r)

# --- scband reference (transcript-rebuilt; emitter-appended) ---
"""Pipeline reference for scband-cit-sage-90056874262920 (READ-ONLY COPY).

The authoritative reference and input builder live on the scoring server;
editing this copy changes nothing except your own understanding.
"""

import jax, jax.numpy as jnp
import numpy as np

N_NODES = 10000
N_EDGES = 160000
F_IN = 256
HID = 256
N_CLASSES = 64


def _glorot(key, shape):
    fan_in, fan_out = shape[0], shape[1]
    limit = float(np.sqrt(6.0 / (fan_in + fan_out)))
    return jax.random.uniform(key, shape, dtype=jnp.float32, minval=-limit, maxval=limit)


def setup_inputs(seed: int = 0) -> dict:
    key = jax.random.key(seed)
    ks = jax.random.split(key, 7)
    x = jax.random.normal(ks[0], (N_NODES, F_IN), dtype=jnp.float32)
    edge_index = jax.random.randint(ks[1], (2, N_EDGES), 0, N_NODES, dtype=jnp.int32)
    # SAGEConv params: lin_l acts on aggregated neighbors, lin_r on root node features.
    W1_l = _glorot(ks[2], (F_IN, HID))
    W1_r = _glorot(ks[3], (F_IN, HID))
    W2_l = _glorot(ks[4], (HID, N_CLASSES))
    W2_r = _glorot(ks[5], (HID, N_CLASSES))
    b2 = jnp.zeros((N_CLASSES,), dtype=jnp.float32)
    return {"x": x, "edge_index": edge_index, "W1_l": W1_l, "W1_r": W1_r,
            "W2_l": W2_l, "W2_r": W2_r, "b2": b2}


def _sage_conv(h, edge_index, W_l, W_r, b):
    # PyG SAGEConv with mean aggregation, normalize=False.
    src = edge_index[0]
    dst = edge_index[1]
    msg = jnp.take(h, src, axis=0)                                   # gather x_j
    agg = jax.ops.segment_sum(msg, dst, num_segments=N_NODES)         # scatter-add
    cnt = jax.ops.segment_sum(jnp.ones((msg.shape[0],), h.dtype), dst,
                              num_segments=N_NODES)
    agg = agg / jnp.maximum(cnt, 1.0)[:, None]                        # mean aggregation
    out = agg @ W_l + h @ W_r
    if b is not None:
        out = out + b
    return out


def reference(x, edge_index, W1_l, W1_r, W2_l, W2_r, b2):
    # CitSAGE.forward (eval mode: dropout p=0.5 is identity, mask=None, qbits=32 -> plain SAGEConv)
    h = jax.nn.relu(_sage_conv(x, edge_index, W1_l, W1_r, None))  # conv1: bias=False
    out = _sage_conv(h, edge_index, W2_l, W2_r, b2)               # conv2: bias=True
    return out

if __name__ == "__main__":
    import jax
    _d = setup_inputs()
    print(jax.jit(kernel)(*tuple(_d.values())))

</pallas_src>

<mosaic_0001>
#map = affine_map<(d0, d1) -> (0, 0, 0)>
#map1 = affine_map<(d0, d1) -> (0, 0)>
#map2 = affine_map<(d0, d1) -> (0)>
module attributes {stable_mosaic.version = 14 : i64} {
  func.func @body(%arg0: i32, %arg1: i32, %arg2: memref<16x80x128xi32, #tpu.memory_space<hbm>>, %arg3: memref<10000x128xf32, #tpu.memory_space<hbm>>, %arg4: memref<10000x128xf32, #tpu.memory_space<hbm>>, %arg5: memref<10240x128xf32, #tpu.memory_space<hbm>>, %arg6: memref<10240x128xf32, #tpu.memory_space<hbm>>, %arg7: memref<10240xf32, #tpu.memory_space<hbm>>, %arg8: memref<10240xf32, #tpu.memory_space<hbm>>, %arg9: memref<80x128xi32, #tpu.memory_space<vmem>>, %arg10: memref<128x128xf32, #tpu.memory_space<vmem>>, %arg11: memref<128x128xf32, #tpu.memory_space<vmem>>, %arg12: memref<128xi32, #tpu.memory_space<vmem>>, %arg13: memref<128xi32, #tpu.memory_space<vmem>>, %arg14: memref<128xi32, #tpu.memory_space<vmem>>, %arg15: memref<128xi32, #tpu.memory_space<vmem>>, %arg16: memref<10240x128xf32, #tpu.memory_space<vmem_shared>>, %arg17: memref<!tpu.dma_semaphore, #tpu.memory_space<semaphore_mem>>, %arg18: memref<!tpu.dma_semaphore, #tpu.memory_space<semaphore_mem>>, %arg19: memref<!tpu.dma_semaphore, #tpu.memory_space<semaphore_mem>>, %arg20: memref<!tpu.dma_semaphore, #tpu.memory_space<semaphore_mem>>, %arg21: memref<128xf32, #tpu.memory_space<vmem>>, %arg22: memref<128xf32, #tpu.memory_space<vmem>>, %arg23: memref<10240xf32, #tpu.memory_space<vmem_shared>>) attributes {dimension_semantics = [#tpu.dimension_semantics<core_parallel>, #tpu.dimension_semantics<subcore_parallel>], iteration_bounds = array<i64: 2, 16>, scalar_prefetch = 0 : i64, scratch_operands = 15 : i64, tpu.core_type = #tpu.core_type<sc_vector_subcore>, window_params = [{transform_indices = #map}, {transform_indices = #map1}, {transform_indices = #map1}, {transform_indices = #map1}, {transform_indices = #map1}, {transform_indices = #map2}, {transform_indices = #map2}]} {
    %mul3A = arith.constant 640 : i32
    %mul3A_0 = arith.muli %arg1, %mul3A : i32
    %broadcast_in_dim3A = arith.constant 0.000000e+00 : f32
    %broadcast_in_dim3A_1 = vector.broadcast %broadcast_in_dim3A : f32 to vector<16xf32>
    "tpu.region"() ({
      %run_scoped3A = tpu.sem_alloc : memref<!tpu.dma_semaphore, #tpu.memory_space<semaphore_mem>>
      %dma_start3A = arith.constant 0 : i32
      %dma_start3A_88 = arith.constant 0 : i32
      %dma_start3A_89 = tpu.memref_slice %arg2[%arg1, %dma_start3A, %dma_start3A_88] : memref<16x80x128xi32, #tpu.memory_space<hbm>> -> memref<1x80x128xi32, #tpu.memory_space<hbm>>
      %dma_start3A_90 = tpu.memref_squeeze %dma_start3A_89 : memref<1x80x128xi32, #tpu.memory_space<hbm>> -> memref<80x128xi32, #tpu.memory_space<hbm>>
      %dma_start3A_91 = arith.constant 0 : i32
      %dma_start3A_92 = arith.constant 0 : i32
      %dma_start3A_93 = tpu.memref_slice %arg2[%arg1, %dma_start3A_91, %dma_start3A_92] : memref<16x80x128xi32, #tpu.memory_space<hbm>> -> memref<1x80x128xi32, #tpu.memory_space<hbm>>
      %dma_start3A_94 = tpu.memref_squeeze %dma_start3A_93 : memref<1x80x128xi32, #tpu.memory_space<hbm>> -> memref<80x128xi32, #tpu.memory_space<hbm>>
      tpu.enqueue_dma source(%dma_start3A_94 : memref<80x128xi32, #tpu.memory_space<hbm>>) target(%arg9 : memref<80x128xi32, #tpu.memory_space<vmem>>) target_semaphore(%run_scoped3A : memref<!tpu.dma_semaphore, #tpu.memory_space<semaphore_mem>>)
      %dma_wait3A_95 = arith.constant 0 : i32
      %dma_wait3A_96 = arith.constant 0 : i32
      %dma_wait3A_97 = tpu.memref_slice %arg2[%arg1, %dma_wait3A_95, %dma_wait3A_96] : memref<16x80x128xi32, #tpu.memory_space<hbm>> -> memref<1x80x128xi32, #tpu.memory_space<hbm>>
      %dma_wait3A_98 = tpu.memref_squeeze %dma_wait3A_97 : memref<1x80x128xi32, #tpu.memory_space<hbm>> -> memref<80x128xi32, #tpu.memory_space<hbm>>
      %dma_wait3A_99 = arith.constant 0 : i32
      %dma_wait3A_100 = arith.constant 0 : i32
      %dma_wait3A_101 = tpu.memref_slice %arg2[%arg1, %dma_wait3A_99, %dma_wait3A_100] : memref<16x80x128xi32, #tpu.memory_space<hbm>> -> memref<1x80x128xi32, #tpu.memory_space<hbm>>
      %dma_wait3A_102 = tpu.memref_squeeze %dma_wait3A_101 : memref<1x80x128xi32, #tpu.memory_space<hbm>> -> memref<80x128xi32, #tpu.memory_space<hbm>>
      tpu.wait_dma2 semaphore(%run_scoped3A : memref<!tpu.dma_semaphore, #tpu.memory_space<semaphore_mem>>) src(%dma_wait3A_102 : memref<80x128xi32, #tpu.memory_space<hbm>>) dst(%arg9 : memref<80x128xi32, #tpu.memory_space<vmem>>)
      tpu.yield
    }) : () -> ()
    %broadcast_in_dim3A_2 = arith.constant 0.000000e+00 : f32
    %broadcast_in_dim3A_3 = vector.broadcast %broadcast_in_dim3A_2 : f32 to vector<16xf32>
    %scan3A = arith.constant 0 : i32
    %scan3A_4 = arith.constant 128 : i32
    %scan3A_5 = arith.addi %scan3A, %scan3A_4 : i32
    %scan3A_6 = arith.constant 1 : i32
    scf.for %scan3A_88 = %scan3A to %scan3A_5 step %scan3A_6  : i32 {
      %mul3A_89 = arith.constant 1 : i32
      %mul3A_90 = arith.muli %scan3A_88, %mul3A_89 : i32
      %add3A = arith.constant 0 : i32
      %add3A_91 = arith.addi %add3A, %mul3A_90 : i32
      %scan3A_92 = arith.constant 0 : i32
      %scan3A_93 = arith.constant 8 : i32
      %scan3A_94 = arith.addi %scan3A_92, %scan3A_93 : i32
      %scan3A_95 = arith.constant 1 : i32
      scf.for %scan3A_97 = %scan3A_92 to %scan3A_94 step %scan3A_95  : i32 {
        %mul3A_98 = arith.constant 1 : i32
        %mul3A_99 = arith.muli %scan3A_97, %mul3A_98 : i32
        %add3A_100 = arith.constant 0 : i32
        %add3A_101 = arith.addi %add3A_100, %mul3A_99 : i32
        %mul3A_102 = arith.constant 16 : i32
        %mul3A_103 = arith.muli %add3A_101, %mul3A_102 : i32
        %swap3A = arith.index_cast %add3A_91 : i32 to index
        %swap3A_104 = arith.index_cast %mul3A_103 : i32 to index
        %swap3A_105 = tpu.vector_load %arg10[%swap3A, %swap3A_104] {strides = array<i32>} : memref<128x128xf32, #tpu.memory_space<vmem>>, vector<1x16xf32>,
        %swap3A_106 = vector.shape_cast %swap3A_105 : vector<1x16xf32> to vector<16xf32>
        %swap3A_107 = vector.shape_cast %broadcast_in_dim3A_3 : vector<16xf32> to vector<1x16xf32>
        tpu.vector_store %arg10[%swap3A, %swap3A_104], %swap3A_107 {strides = array<i32>} : memref<128x128xf32, #tpu.memory_space<vmem>>, vector<1x16xf32>,
      }
      %scan3A_96 = arith.constant 8 : i32
    }
    %scan3A_7 = arith.constant 128 : i32
    %scan3A_8 = arith.constant 0 : i32
    %scan3A_9 = arith.constant 5 : i32
    %scan3A_10 = arith.addi %scan3A_8, %scan3A_9 : i32
    %scan3A_11 = arith.constant 1 : i32
    scf.for %scan3A_88 = %scan3A_8 to %scan3A_10 step %scan3A_11  : i32 {
      %mul3A_89 = arith.constant 1 : i32
      %mul3A_90 = arith.muli %scan3A_88, %mul3A_89 : i32
      %add3A = arith.constant 0 : i32
      %add3A_91 = arith.addi %add3A, %mul3A_90 : i32
      %mul3A_92 = arith.constant 128 : i32
      %mul3A_93 = arith.muli %add3A_91, %mul3A_92 : i32
      %add3A_94 = arith.addi %mul3A_0, %mul3A_93 : i32
      "tpu.region"() ({
        %run_scoped3A = tpu.sem_alloc : memref<!tpu.dma_semaphore, #tpu.memory_space<semaphore_mem>>
        %dma_start3A = arith.constant 0 : i32
        %dma_start3A_95 = tpu.memref_slice %arg16[%add3A_94, %dma_start3A] : memref<10240x128xf32, #tpu.memory_space<vmem_shared>> -> memref<128x128xf32, #tpu.memory_space<vmem_shared>>
        %dma_start3A_96 = arith.constant 0 : i32
        %dma_start3A_97 = tpu.memref_slice %arg16[%add3A_94, %dma_start3A_96] : memref<10240x128xf32, #tpu.memory_space<vmem_shared>> -> memref<128x128xf32, #tpu.memory_space<vmem_shared>>
        tpu.enqueue_dma source(%arg10 : memref<128x128xf32, #tpu.memory_space<vmem>>) target(%dma_start3A_97 : memref<128x128xf32, #tpu.memory_space<vmem_shared>>) target_semaphore(%run_scoped3A : memref<!tpu.dma_semaphore, #tpu.memory_space<semaphore_mem>>)
        %dma_wait3A_98 = arith.constant 0 : i32
        %dma_wait3A_99 = tpu.memref_slice %arg16[%add3A_94, %dma_wait3A_98] : memref<10240x128xf32, #tpu.memory_space<vmem_shared>> -> memref<128x128xf32, #tpu.memory_space<vmem_shared>>
        %dma_wait3A_100 = arith.constant 0 : i32
        %dma_wait3A_101 = tpu.memref_slice %arg16[%add3A_94, %dma_wait3A_100] : memref<10240x128xf32, #tpu.memory_space<vmem_shared>> -> memref<128x128xf32, #tpu.memory_space<vmem_shared>>
        tpu.wait_dma2 semaphore(%run_scoped3A : memref<!tpu.dma_semaphore, #tpu.memory_space<semaphore_mem>>) src(%arg10 : memref<128x128xf32, #tpu.memory_space<vmem>>) dst(%dma_wait3A_101 : memref<128x128xf32, #tpu.memory_space<vmem_shared>>)
        tpu.yield
      }) : () -> ()
    }
    %scan3A_12 = arith.constant 5 : i32
    %scan3A_13 = arith.constant 0 : i32
    %scan3A_14 = arith.constant 8 : i32
    %scan3A_15 = arith.addi %scan3A_13, %scan3A_14 : i32
    %scan3A_16 = arith.constant 1 : i32
    scf.for %scan3A_88 = %scan3A_13 to %scan3A_15 step %scan3A_16  : i32 {
      %mul3A_89 = arith.constant 1 : i32
      %mul3A_90 = arith.muli %scan3A_88, %mul3A_89 : i32
      %add3A = arith.constant 0 : i32
      %add3A_91 = arith.addi %add3A, %mul3A_90 : i32
      %mul3A_92 = arith.constant 16 : i32
      %mul3A_93 = arith.muli %add3A_91, %mul3A_92 : i32
      %swap3A = arith.index_cast %mul3A_93 : i32 to index
      %swap3A_94 = tpu.vector_load %arg22[%swap3A] {strides = array<i32>} : memref<128xf32, #tpu.memory_space<vmem>>, vector<16xf32>,
      %swap3A_95 = vector.shape_cast %swap3A_94 : vector<16xf32> to vector<16xf32>
      %swap3A_96 = vector.shape_cast %broadcast_in_dim3A_1 : vector<16xf32> to vector<16xf32>
      tpu.vector_store %arg22[%swap3A], %swap3A_96 {strides = array<i32>} : memref<128xf32, #tpu.memory_space<vmem>>, vector<16xf32>,
    }
    %scan3A_17 = arith.constant 8 : i32
    %broadcast_in_dim3A_18 = arith.constant 1.000000e+00 : f32
    %broadcast_in_dim3A_19 = vector.broadcast %broadcast_in_dim3A_18 : f32 to vector<16xf32>
    %scan3A_20 = arith.constant 0 : i32
    %scan3A_21 = arith.constant 8 : i32
    %scan3A_22 = arith.addi %scan3A_20, %scan3A_21 : i32
    %scan3A_23 = arith.constant 1 : i32
    scf.for %scan3A_88 = %scan3A_20 to %scan3A_22 step %scan3A_23  : i32 {
      %mul3A_89 = arith.constant 1 : i32
      %mul3A_90 = arith.muli %scan3A_88, %mul3A_89 : i32
      %add3A = arith.constant 0 : i32
      %add3A_91 = arith.addi %add3A, %mul3A_90 : i32
      %mul3A_92 = arith.constant 16 : i32
      %mul3A_93 = arith.muli %add3A_91, %mul3A_92 : i32
      %swap3A = arith.index_cast %mul3A_93 : i32 to index
      %swap3A_94 = tpu.vector_load %arg21[%swap3A] {strides = array<i32>} : memref<128xf32, #tpu.memory_space<vmem>>, vector<16xf32>,
      %swap3A_95 = vector.shape_cast %swap3A_94 : vector<16xf32> to vector<16xf32>
      %swap3A_96 = vector.shape_cast %broadcast_in_dim3A_19 : vector<16xf32> to vector<16xf32>
      tpu.vector_store %arg21[%swap3A], %swap3A_96 {strides = array<i32>} : memref<128xf32, #tpu.memory_space<vmem>>, vector<16xf32>,
    }
    %scan3A_24 = arith.constant 8 : i32
    %scan3A_25 = arith.constant 0 : i32
    %scan3A_26 = arith.constant 5 : i32
    %scan3A_27 = arith.addi %scan3A_25, %scan3A_26 : i32
    %scan3A_28 = arith.constant 1 : i32
    scf.for %scan3A_88 = %scan3A_25 to %scan3A_27 step %scan3A_28  : i32 {
      %mul3A_89 = arith.constant 1 : i32
      %mul3A_90 = arith.muli %scan3A_88, %mul3A_89 : i32
      %add3A = arith.constant 0 : i32
      %add3A_91 = arith.addi %add3A, %mul3A_90 : i32
      %mul3A_92 = arith.constant 128 : i32
      %mul3A_93 = arith.muli %add3A_91, %mul3A_92 : i32
      %add3A_94 = arith.addi %mul3A_0, %mul3A_93 : i32
      "tpu.region"() ({
        %run_scoped3A = tpu.sem_alloc : memref<!tpu.dma_semaphore, #tpu.memory_space<semaphore_mem>>
        %dma_start3A = tpu.memref_slice %arg23[%add3A_94] : memref<10240xf32, #tpu.memory_space<vmem_shared>> -> memref<128xf32, #tpu.memory_space<vmem_shared>>
        %dma_start3A_95 = tpu.memref_slice %arg23[%add3A_94] : memref<10240xf32, #tpu.memory_space<vmem_shared>> -> memref<128xf32, #tpu.memory_space<vmem_shared>>
        tpu.enqueue_dma source(%arg22 : memref<128xf32, #tpu.memory_space<vmem>>) target(%dma_start3A_95 : memref<128xf32, #tpu.memory_space<vmem_shared>>) target_semaphore(%run_scoped3A : memref<!tpu.dma_semaphore, #tpu.memory_space<semaphore_mem>>)
        %dma_wait3A_96 = tpu.memref_slice %arg23[%add3A_94] : memref<10240xf32, #tpu.memory_space<vmem_shared>> -> memref<128xf32, #tpu.memory_space<vmem_shared>>
        %dma_wait3A_97 = tpu.memref_slice %arg23[%add3A_94] : memref<10240xf32, #tpu.memory_space<vmem_shared>> -> memref<128xf32, #tpu.memory_space<vmem_shared>>
        tpu.wait_dma2 semaphore(%run_scoped3A : memref<!tpu.dma_semaphore, #tpu.memory_space<semaphore_mem>>) src(%arg22 : memref<128xf32, #tpu.memory_space<vmem>>) dst(%dma_wait3A_97 : memref<128xf32, #tpu.memory_space<vmem_shared>>)
        tpu.yield
      }) : () -> ()
    }
    %scan3A_29 = arith.constant 5 : i32
    %scan3A_30 = arith.constant 0 : i32
    %scan3A_31 = arith.constant 8 : i32
    %scan3A_32 = arith.addi %scan3A_30, %scan3A_31 : i32
    %scan3A_33 = arith.constant 1 : i32
    scf.for %scan3A_88 = %scan3A_30 to %scan3A_32 step %scan3A_33  : i32 {
      %mul3A_89 = arith.constant 1 : i32
      %mul3A_90 = arith.muli %scan3A_88, %mul3A_89 : i32
      %add3A = arith.constant 0 : i32
      %add3A_91 = arith.addi %add3A, %mul3A_90 : i32
      %mul3A_92 = arith.constant 16 : i32
      %mul3A_93 = arith.muli %add3A_91, %mul3A_92 : i32
      %get3A = arith.constant 0 : i32
      %get3A_94 = arith.index_cast %get3A : i32 to index
      %get3A_95 = arith.index_cast %mul3A_93 : i32 to index
      %get3A_96 = tpu.vector_load %arg9[%get3A_94, %get3A_95] {strides = array<i32>} : memref<80x128xi32, #tpu.memory_space<vmem>>, vector<1x16xi32>,
      %get3A_97 = vector.shape_cast %get3A_96 : vector<1x16xi32> to vector<16xi32>
      %and3A = arith.constant 65535 : i32
      %and3A_98 = vector.broadcast %and3A : i32 to vector<16xi32>
      %and3A_99 = arith.andi %get3A_97, %and3A_98 : vector<16xi32>
      %mul3A_100 = arith.constant 16 : i32
      %mul3A_101 = arith.muli %add3A_91, %mul3A_100 : i32
      %swap3A = arith.index_cast %mul3A_101 : i32 to index
      %swap3A_102 = tpu.vector_load %arg12[%swap3A] {strides = array<i32>} : memref<128xi32, #tpu.memory_space<vmem>>, vector<16xi32>,
      %swap3A_103 = vector.shape_cast %swap3A_102 : vector<16xi32> to vector<16xi32>
      %swap3A_104 = vector.shape_cast %and3A_99 : vector<16xi32> to vector<16xi32>
      tpu.vector_store %arg12[%swap3A], %swap3A_104 {strides = array<i32>} : memref<128xi32, #tpu.memory_space<vmem>>, vector<16xi32>,
      %shift_right_logical3A = arith.constant 16 : i32
      %shift_right_logical3A_105 = vector.broadcast %shift_right_logical3A : i32 to vector<16xi32>
      %shift_right_logical3A_106 = arith.shrui %get3A_97, %shift_right_logical3A_105 : vector<16xi32>
      %mul3A_107 = arith.constant 16 : i32
      %mul3A_108 = arith.muli %add3A_91, %mul3A_107 : i32
      %swap3A_109 = arith.index_cast %mul3A_108 : i32 to index
      %swap3A_110 = tpu.vector_load %arg14[%swap3A_109] {strides = array<i32>} : memref<128xi32, #tpu.memory_space<vmem>>, vector<16xi32>,
      %swap3A_111 = vector.shape_cast %swap3A_110 : vector<16xi32> to vector<16xi32>
      %swap3A_112 = vector.shape_cast %shift_right_logical3A_106 : vector<16xi32> to vector<16xi32>
      tpu.vector_store %arg14[%swap3A_109], %swap3A_112 {strides = array<i32>} : memref<128xi32, #tpu.memory_space<vmem>>, vector<16xi32>,
    }
    %scan3A_34 = arith.constant 8 : i32
    %eq3A = arith.constant 0 : i32
    %eq3A_35 = arith.cmpi eq, %arg0, %eq3A : i32
    %convert_element_type3A = arith.extui %eq3A_35 : i1 to i32
    %cond3A = arith.constant 0 : i32
    %cond3A_36 = arith.cmpi ne, %convert_element_type3A, %cond3A : i32
    scf.if %cond3A_36 {
      %dma_start3A = arith.constant 0 : i32
      %dma_start3A_88 = arith.constant 0 : i32
      %dma_start3A_89 = tpu.memref_slice %arg3[%dma_start3A, %dma_start3A_88] : memref<10000x128xf32, #tpu.memory_space<hbm>> -> memref<10000x128xf32, #tpu.memory_space<hbm>>
      tpu.enqueue_indirect_dma source(%dma_start3A_89 : memref<10000x128xf32, #tpu.memory_space<hbm>>) target(%arg10 : memref<128x128xf32, #tpu.memory_space<vmem>>) offsets(%arg12 : memref<128xi32, #tpu.memory_space<vmem>>) semaphore(%arg17 : memref<!tpu.dma_semaphore, #tpu.memory_space<semaphore_mem>>)
    } else {
    }
    %eq3A_37 = arith.constant 1 : i32
    %eq3A_38 = arith.cmpi eq, %arg0, %eq3A_37 : i32
    %convert_element_type3A_39 = arith.extui %eq3A_38 : i1 to i32
    %cond3A_40 = arith.constant 0 : i32
    %cond3A_41 = arith.cmpi ne, %convert_element_type3A_39, %cond3A_40 : i32
    scf.if %cond3A_41 {
      %dma_start3A = arith.constant 0 : i32
      %dma_start3A_88 = arith.constant 0 : i32
      %dma_start3A_89 = tpu.memref_slice %arg4[%dma_start3A, %dma_start3A_88] : memref<10000x128xf32, #tpu.memory_space<hbm>> -> memref<10000x128xf32, #tpu.memory_space<hbm>>
      tpu.enqueue_indirect_dma source(%dma_start3A_89 : memref<10000x128xf32, #tpu.memory_space<hbm>>) target(%arg10 : memref<128x128xf32, #tpu.memory_space<vmem>>) offsets(%arg12 : memref<128xi32, #tpu.memory_space<vmem>>) semaphore(%arg17 : memref<!tpu.dma_semaphore, #tpu.memory_space<semaphore_mem>>)
    } else {
    }
    %scan3A_42 = arith.constant 0 : i32
    %scan3A_43 = arith.constant 8 : i32
    %scan3A_44 = arith.addi %scan3A_42, %scan3A_43 : i32
    %scan3A_45 = arith.constant 1 : i32
    scf.for %scan3A_88 = %scan3A_42 to %scan3A_44 step %scan3A_45  : i32 {
      %mul3A_89 = arith.constant 1 : i32
      %mul3A_90 = arith.muli %scan3A_88, %mul3A_89 : i32
      %add3A = arith.constant 0 : i32
      %add3A_91 = arith.addi %add3A, %mul3A_90 : i32
      %mul3A_92 = arith.constant 16 : i32
      %mul3A_93 = arith.muli %add3A_91, %mul3A_92 : i32
      %get3A = arith.constant 1 : i32
      %get3A_94 = arith.index_cast %get3A : i32 to index
      %get3A_95 = arith.index_cast %mul3A_93 : i32 to index
      %get3A_96 = tpu.vector_load %arg9[%get3A_94, %get3A_95] {strides = array<i32>} : memref<80x128xi32, #tpu.memory_space<vmem>>, vector<1x16xi32>,
      %get3A_97 = vector.shape_cast %get3A_96 : vector<1x16xi32> to vector<16xi32>
      %and3A = arith.constant 65535 : i32
      %and3A_98 = vector.broadcast %and3A : i32 to vector<16xi32>
      %and3A_99 = arith.andi %get3A_97, %and3A_98 : vector<16xi32>
      %mul3A_100 = arith.constant 16 : i32
      %mul3A_101 = arith.muli %add3A_91, %mul3A_100 : i32
      %swap3A = arith.index_cast %mul3A_101 : i32 to index
      %swap3A_102 = tpu.vector_load %arg13[%swap3A] {strides = array<i32>} : memref<128xi32, #tpu.memory_space<vmem>>, vector<16xi32>,
      %swap3A_103 = vector.shape_cast %swap3A_102 : vector<16xi32> to vector<16xi32>
      %swap3A_104 = vector.shape_cast %and3A_99 : vector<16xi32> to vector<16xi32>
      tpu.vector_store %arg13[%swap3A], %swap3A_104 {strides = array<i32>} : memref<128xi32, #tpu.memory_space<vmem>>, vector<16xi32>,
      %shift_right_logical3A = arith.constant 16 : i32
      %shift_right_logical3A_105 = vector.broadcast %shift_right_logical3A : i32 to vector<16xi32>
      %shift_right_logical3A_106 = arith.shrui %get3A_97, %shift_right_logical3A_105 : vector<16xi32>
      %mul3A_107 = arith.constant 16 : i32
      %mul3A_108 = arith.muli %add3A_91, %mul3A_107 : i32
      %swap3A_109 = arith.index_cast %mul3A_108 : i32 to index
      %swap3A_110 = tpu.vector_load %arg15[%swap3A_109] {strides = array<i32>} : memref<128xi32, #tpu.memory_space<vmem>>, vector<16xi32>,
      %swap3A_111 = vector.shape_cast %swap3A_110 : vector<16xi32> to vector<16xi32>
      %swap3A_112 = vector.shape_cast %shift_right_logical3A_106 : vector<16xi32> to vector<16xi32>
      tpu.vector_store %arg15[%swap3A_109], %swap3A_112 {strides = array<i32>} : memref<128xi32, #tpu.memory_space<vmem>>, vector<16xi32>,
    }
    %scan3A_46 = arith.constant 8 : i32
    %eq3A_47 = arith.constant 0 : i32
    %eq3A_48 = arith.cmpi eq, %arg0, %eq3A_47 : i32
    %convert_element_type3A_49 = arith.extui %eq3A_48 : i1 to i32
    %cond3A_50 = arith.constant 0 : i32
    %cond3A_51 = arith.cmpi ne, %convert_element_type3A_49, %cond3A_50 : i32
    scf.if %cond3A_51 {
      %dma_start3A = arith.constant 0 : i32
      %dma_start3A_88 = arith.constant 0 : i32
      %dma_start3A_89 = tpu.memref_slice %arg3[%dma_start3A, %dma_start3A_88] : memref<10000x128xf32, #tpu.memory_space<hbm>> -> memref<10000x128xf32, #tpu.memory_space<hbm>>
      tpu.enqueue_indirect_dma source(%dma_start3A_89 : memref<10000x128xf32, #tpu.memory_space<hbm>>) target(%arg11 : memref<128x128xf32, #tpu.memory_space<vmem>>) offsets(%arg13 : memref<128xi32, #tpu.memory_space<vmem>>) semaphore(%arg18 : memref<!tpu.dma_semaphore, #tpu.memory_space<semaphore_mem>>)
    } else {
    }
    %eq3A_52 = arith.constant 1 : i32
    %eq3A_53 = arith.cmpi eq, %arg0, %eq3A_52 : i32
    %convert_element_type3A_54 = arith.extui %eq3A_53 : i1 to i32
    %cond3A_55 = arith.constant 0 : i32
    %cond3A_56 = arith.cmpi ne, %convert_element_type3A_54, %cond3A_55 : i32
    scf.if %cond3A_56 {
      %dma_start3A = arith.constant 0 : i32
      %dma_start3A_88 = arith.constant 0 : i32
      %dma_start3A_89 = tpu.memref_slice %arg4[%dma_start3A, %dma_start3A_88] : memref<10000x128xf32, #tpu.memory_space<hbm>> -> memref<10000x128xf32, #tpu.memory_space<hbm>>
      tpu.enqueue_indirect_dma source(%dma_start3A_89 : memref<10000x128xf32, #tpu.memory_space<hbm>>) target(%arg11 : memref<128x128xf32, #tpu.memory_space<vmem>>) offsets(%arg13 : memref<128xi32, #tpu.memory_space<vmem>>) semaphore(%arg18 : memref<!tpu.dma_semaphore, #tpu.memory_space<semaphore_mem>>)
    } else {
    }
    %barrier3A = arith.constant 0 : index
    tpu.barrier barrier_id(%barrier3A)
    %scan3A_57 = arith.constant 0 : i32
    %scan3A_58 = arith.constant 40 : i32
    %scan3A_59 = arith.addi %scan3A_57, %scan3A_58 : i32
    %scan3A_60 = arith.constant 1 : i32
    scf.for %scan3A_88 = %scan3A_57 to %scan3A_59 step %scan3A_60  : i32 {
      %mul3A_89 = arith.constant 1 : i32
      %mul3A_90 = arith.muli %scan3A_88, %mul3A_89 : i32
      %add3A = arith.constant 0 : i32
      %add3A_91 = arith.addi %add3A, %mul3A_90 : i32
      %mul3A_92 = arith.constant 2 : i32
      %mul3A_93 = arith.muli %add3A_91, %mul3A_92 : i32
      %add3A_94 = arith.constant 0 : i32
      %add3A_95 = arith.addi %mul3A_93, %add3A_94 : i32
      %dma_wait3A_96 = arith.constant 0 : i32
      %dma_wait3A_97 = arith.constant 0 : i32
      %dma_wait3A_98 = tpu.memref_slice %arg3[%dma_wait3A_96, %dma_wait3A_97] : memref<10000x128xf32, #tpu.memory_space<hbm>> -> memref<10000x128xf32, #tpu.memory_space<hbm>>
      tpu.wait_indirect_dma semaphore(%arg17 : memref<!tpu.dma_semaphore, #tpu.memory_space<semaphore_mem>>) src(%dma_wait3A_98 : memref<10000x128xf32, #tpu.memory_space<hbm>>) dst(%arg10 : memref<128x128xf32, #tpu.memory_space<vmem>>)
      %dma_start3A = arith.constant 0 : i32
      %dma_start3A_99 = arith.constant 0 : i32
      %dma_start3A_100 = tpu.memref_slice %arg16[%dma_start3A, %dma_start3A_99] : memref<10240x128xf32, #tpu.memory_space<vmem_shared>> -> memref<10240x128xf32, #tpu.memory_space<vmem_shared>>
      tpu.enqueue_indirect_dma source(%arg10 : memref<128x128xf32, #tpu.memory_space<vmem>>) target(%dma_start3A_100 : memref<10240x128xf32, #tpu.memory_space<vmem_shared>>) offsets(%arg14 : memref<128xi32, #tpu.memory_space<vmem>>) semaphore(%arg19 : memref<!tpu.dma_semaphore, #tpu.memory_space<semaphore_mem>>) {add = true}
      %eq3A_101 = arith.constant 0 : i32
      %eq3A_102 = arith.cmpi eq, %arg0, %eq3A_101 : i32
      %lt3A = arith.constant 40 : i32
      %lt3A_103 = arith.cmpi slt, %add3A_95, %lt3A : i32
      %ge3A = arith.constant 40 : i32
      %ge3A_104 = arith.cmpi sge, %add3A_95, %ge3A : i32
      %select_n3A = arith.select %eq3A_102, %lt3A_103, %ge3A_104 : i1
      %convert_element_type3A_105 = arith.extui %select_n3A : i1 to i32
      %cond3A_106 = arith.constant 0 : i32
      %cond3A_107 = arith.cmpi ne, %convert_element_type3A_105, %cond3A_106 : i32
      scf.if %cond3A_107 {
        "tpu.region"() ({
          %run_scoped3A = tpu.sem_alloc : memref<!tpu.dma_semaphore, #tpu.memory_space<semaphore_mem>>
          %dma_start3A_142 = arith.constant 0 : i32
          %dma_start3A_143 = tpu.memref_slice %arg23[%dma_start3A_142] : memref<10240xf32, #tpu.memory_space<vmem_shared>> -> memref<10240xf32, #tpu.memory_space<vmem_shared>>
          tpu.enqueue_indirect_dma source(%arg21 : memref<128xf32, #tpu.memory_space<vmem>>) target(%dma_start3A_143 : memref<10240xf32, #tpu.memory_space<vmem_shared>>) offsets(%arg14 : memref<128xi32, #tpu.memory_space<vmem>>) semaphore(%run_scoped3A : memref<!tpu.dma_semaphore, #tpu.memory_space<semaphore_mem>>) {add = true}
          %dma_wait3A_144 = arith.constant 0 : i32
          %dma_wait3A_145 = tpu.memref_slice %arg23[%dma_wait3A_144] : memref<10240xf32, #tpu.memory_space<vmem_shared>> -> memref<10240xf32, #tpu.memory_space<vmem_shared>>
          tpu.wait_indirect_dma semaphore(%run_scoped3A : memref<!tpu.dma_semaphore, #tpu.memory_space<semaphore_mem>>) src(%arg21 : memref<128xf32, #tpu.memory_space<vmem>>) dst(%dma_wait3A_145 : memref<10240xf32, #tpu.memory_space<vmem_shared>>)
          tpu.yield
        }) : () -> ()
      } else {
      }
      %add3A_108 = arith.constant 2 : i32
      %add3A_109 = arith.addi %add3A_95, %add3A_108 : i32
      %lt3A_110 = arith.constant 80 : i32
      %lt3A_111 = arith.cmpi slt, %add3A_109, %lt3A_110 : i32
      %convert_element_type3A_112 = arith.extui %lt3A_111 : i1 to i32
      %cond3A_113 = arith.constant 0 : i32
      %cond3A_114 = arith.cmpi ne, %convert_element_type3A_112, %cond3A_113 : i32
      scf.if %cond3A_114 {
        %dma_wait3A_142 = arith.constant 0 : i32
        %dma_wait3A_143 = arith.constant 0 : i32
        %dma_wait3A_144 = tpu.memref_slice %arg16[%dma_wait3A_142, %dma_wait3A_143] : memref<10240x128xf32, #tpu.memory_space<vmem_shared>> -> memref<10240x128xf32, #tpu.memory_space<vmem_shared>>
        tpu.wait_indirect_dma semaphore(%arg19 : memref<!tpu.dma_semaphore, #tpu.memory_space<semaphore_mem>>) src(%arg10 : memref<128x128xf32, #tpu.memory_space<vmem>>) dst(%dma_wait3A_144 : memref<10240x128xf32, #tpu.memory_space<vmem_shared>>)
        %add3A_145 = arith.constant 2 : i32
        %add3A_146 = arith.addi %add3A_95, %add3A_145 : i32
        %scan3A_147 = arith.constant 0 : i32
        %scan3A_148 = arith.constant 8 : i32
        %scan3A_149 = arith.addi %scan3A_147, %scan3A_148 : i32
        %scan3A_150 = arith.constant 1 : i32
        scf.for %scan3A_164 = %scan3A_147 to %scan3A_149 step %scan3A_150  : i32 {
          %mul3A_165 = arith.constant 1 : i32
          %mul3A_166 = arith.muli %scan3A_164, %mul3A_165 : i32
          %add3A_167 = arith.constant 0 : i32
          %add3A_168 = arith.addi %add3A_167, %mul3A_166 : i32
          %mul3A_169 = arith.constant 16 : i32
          %mul3A_170 = arith.muli %add3A_168, %mul3A_169 : i32
          %get3A = arith.index_cast %add3A_146 : i32 to index
          %get3A_171 = arith.index_cast %mul3A_170 : i32 to index
          %get3A_172 = tpu.vector_load %arg9[%get3A, %get3A_171] {strides = array<i32>} : memref<80x128xi32, #tpu.memory_space<vmem>>, vector<1x16xi32>,
          %get3A_173 = vector.shape_cast %get3A_172 : vector<1x16xi32> to vector<16xi32>
          %and3A = arith.constant 65535 : i32
          %and3A_174 = vector.broadcast %and3A : i32 to vector<16xi32>
          %and3A_175 = arith.andi %get3A_173, %and3A_174 : vector<16xi32>
          %mul3A_176 = arith.constant 16 : i32
          %mul3A_177 = arith.muli %add3A_168, %mul3A_176 : i32
          %swap3A = arith.index_cast %mul3A_177 : i32 to index
          %swap3A_178 = tpu.vector_load %arg12[%swap3A] {strides = array<i32>} : memref<128xi32, #tpu.memory_space<vmem>>, vector<16xi32>,
          %swap3A_179 = vector.shape_cast %swap3A_178 : vector<16xi32> to vector<16xi32>
          %swap3A_180 = vector.shape_cast %and3A_175 : vector<16xi32> to vector<16xi32>
          tpu.vector_store %arg12[%swap3A], %swap3A_180 {strides = array<i32>} : memref<128xi32, #tpu.memory_space<vmem>>, vector<16xi32>,
          %shift_right_logical3A = arith.constant 16 : i32
          %shift_right_logical3A_181 = vector.broadcast %shift_right_logical3A : i32 to vector<16xi32>
          %shift_right_logical3A_182 = arith.shrui %get3A_173, %shift_right_logical3A_181 : vector<16xi32>
          %mul3A_183 = arith.constant 16 : i32
          %mul3A_184 = arith.muli %add3A_168, %mul3A_183 : i32
          %swap3A_185 = arith.index_cast %mul3A_184 : i32 to index
          %swap3A_186 = tpu.vector_load %arg14[%swap3A_185] {strides = array<i32>} : memref<128xi32, #tpu.memory_space<vmem>>, vector<16xi32>,
          %swap3A_187 = vector.shape_cast %swap3A_186 : vector<16xi32> to vector<16xi32>
          %swap3A_188 = vector.shape_cast %shift_right_logical3A_182 : vector<16xi32> to vector<16xi32>
          tpu.vector_store %arg14[%swap3A_185], %swap3A_188 {strides = array<i32>} : memref<128xi32, #tpu.memory_space<vmem>>, vector<16xi32>,
        }
        %scan3A_151 = arith.constant 8 : i32
        %add3A_152 = arith.constant 2 : i32
        %add3A_153 = arith.addi %add3A_95, %add3A_152 : i32
        %eq3A_154 = arith.constant 0 : i32
        %eq3A_155 = arith.cmpi eq, %arg0, %eq3A_154 : i32
        %convert_element_type3A_156 = arith.extui %eq3A_155 : i1 to i32
        %cond3A_157 = arith.constant 0 : i32
        %cond3A_158 = arith.cmpi ne, %convert_element_type3A_156, %cond3A_157 : i32
        scf.if %cond3A_158 {
          %dma_start3A_164 = arith.constant 0 : i32
          %dma_start3A_165 = arith.constant 0 : i32
          %dma_start3A_166 = tpu.memref_slice %arg3[%dma_start3A_164, %dma_start3A_165] : memref<10000x128xf32, #tpu.memory_space<hbm>> -> memref<10000x128xf32, #tpu.memory_space<hbm>>
          tpu.enqueue_indirect_dma source(%dma_start3A_166 : memref<10000x128xf32, #tpu.memory_space<hbm>>) target(%arg10 : memref<128x128xf32, #tpu.memory_space<vmem>>) offsets(%arg12 : memref<128xi32, #tpu.memory_space<vmem>>) semaphore(%arg17 : memref<!tpu.dma_semaphore, #tpu.memory_space<semaphore_mem>>)
        } else {
        }
        %eq3A_159 = arith.constant 1 : i32
        %eq3A_160 = arith.cmpi eq, %arg0, %eq3A_159 : i32
        %convert_element_type3A_161 = arith.extui %eq3A_160 : i1 to i32
        %cond3A_162 = arith.constant 0 : i32
        %cond3A_163 = arith.cmpi ne, %convert_element_type3A_161, %cond3A_162 : i32
        scf.if %cond3A_163 {
          %dma_start3A_164 = arith.constant 0 : i32
          %dma_start3A_165 = arith.constant 0 : i32
          %dma_start3A_166 = tpu.memref_slice %arg4[%dma_start3A_164, %dma_start3A_165] : memref<10000x128xf32, #tpu.memory_space<hbm>> -> memref<10000x128xf32, #tpu.memory_space<hbm>>
          tpu.enqueue_indirect_dma source(%dma_start3A_166 : memref<10000x128xf32, #tpu.memory_space<hbm>>) target(%arg10 : memref<128x128xf32, #tpu.memory_space<vmem>>) offsets(%arg12 : memref<128xi32, #tpu.memory_space<vmem>>) semaphore(%arg17 : memref<!tpu.dma_semaphore, #tpu.memory_space<semaphore_mem>>)
        } else {
        }
      } else {
      }
      %mul3A_115 = arith.constant 2 : i32
      %mul3A_116 = arith.muli %add3A_91, %mul3A_115 : i32
      %add3A_117 = arith.constant 1 : i32
      %add3A_118 = arith.addi %mul3A_116, %add3A_117 : i32
      %dma_wait3A_119 = arith.constant 0 : i32
      %dma_wait3A_120 = arith.constant 0 : i32
      %dma_wait3A_121 = tpu.memref_slice %arg3[%dma_wait3A_119, %dma_wait3A_120] : memref<10000x128xf32, #tpu.memory_space<hbm>> -> memref<10000x128xf32, #tpu.memory_space<hbm>>
      tpu.wait_indirect_dma semaphore(%arg18 : memref<!tpu.dma_semaphore, #tpu.memory_space<semaphore_mem>>) src(%dma_wait3A_121 : memref<10000x128xf32, #tpu.memory_space<hbm>>) dst(%arg11 : memref<128x128xf32, #tpu.memory_space<vmem>>)
      %dma_start3A_122 = arith.constant 0 : i32
      %dma_start3A_123 = arith.constant 0 : i32
      %dma_start3A_124 = tpu.memref_slice %arg16[%dma_start3A_122, %dma_start3A_123] : memref<10240x128xf32, #tpu.memory_space<vmem_shared>> -> memref<10240x128xf32, #tpu.memory_space<vmem_shared>>
      tpu.enqueue_indirect_dma source(%arg11 : memref<128x128xf32, #tpu.memory_space<vmem>>) target(%dma_start3A_124 : memref<10240x128xf32, #tpu.memory_space<vmem_shared>>) offsets(%arg15 : memref<128xi32, #tpu.memory_space<vmem>>) semaphore(%arg20 : memref<!tpu.dma_semaphore, #tpu.memory_space<semaphore_mem>>) {add = true}
      %eq3A_125 = arith.constant 0 : i32
      %eq3A_126 = arith.cmpi eq, %arg0, %eq3A_125 : i32
      %lt3A_127 = arith.constant 40 : i32
      %lt3A_128 = arith.cmpi slt, %add3A_118, %lt3A_127 : i32
      %ge3A_129 = arith.constant 40 : i32
      %ge3A_130 = arith.cmpi sge, %add3A_118, %ge3A_129 : i32
      %select_n3A_131 = arith.select %eq3A_126, %lt3A_128, %ge3A_130 : i1
      %convert_element_type3A_132 = arith.extui %select_n3A_131 : i1 to i32
      %cond3A_133 = arith.constant 0 : i32
      %cond3A_134 = arith.cmpi ne, %convert_element_type3A_132, %cond3A_133 : i32
      scf.if %cond3A_134 {
        "tpu.region"() ({
          %run_scoped3A = tpu.sem_alloc : memref<!tpu.dma_semaphore, #tpu.memory_space<semaphore_mem>>
          %dma_start3A_142 = arith.constant 0 : i32
          %dma_start3A_143 = tpu.memref_slice %arg23[%dma_start3A_142] : memref<10240xf32, #tpu.memory_space<vmem_shared>> -> memref<10240xf32, #tpu.memory_space<vmem_shared>>
          tpu.enqueue_indirect_dma source(%arg21 : memref<128xf32, #tpu.memory_space<vmem>>) target(%dma_start3A_143 : memref<10240xf32, #tpu.memory_space<vmem_shared>>) offsets(%arg15 : memref<128xi32, #tpu.memory_space<vmem>>) semaphore(%run_scoped3A : memref<!tpu.dma_semaphore, #tpu.memory_space<semaphore_mem>>) {add = true}
          %dma_wait3A_144 = arith.constant 0 : i32
          %dma_wait3A_145 = tpu.memref_slice %arg23[%dma_wait3A_144] : memref<10240xf32, #tpu.memory_space<vmem_shared>> -> memref<10240xf32, #tpu.memory_space<vmem_shared>>
          tpu.wait_indirect_dma semaphore(%run_scoped3A : memref<!tpu.dma_semaphore, #tpu.memory_space<semaphore_mem>>) src(%arg21 : memref<128xf32, #tpu.memory_space<vmem>>) dst(%dma_wait3A_145 : memref<10240xf32, #tpu.memory_space<vmem_shared>>)
          tpu.yield
        }) : () -> ()
      } else {
      }
      %add3A_135 = arith.constant 2 : i32
      %add3A_136 = arith.addi %add3A_118, %add3A_135 : i32
      %lt3A_137 = arith.constant 80 : i32
      %lt3A_138 = arith.cmpi slt, %add3A_136, %lt3A_137 : i32
      %convert_element_type3A_139 = arith.extui %lt3A_138 : i1 to i32
      %cond3A_140 = arith.constant 0 : i32
      %cond3A_141 = arith.cmpi ne, %convert_element_type3A_139, %cond3A_140 : i32
      scf.if %cond3A_141 {
        %dma_wait3A_142 = arith.constant 0 : i32
        %dma_wait3A_143 = arith.constant 0 : i32
        %dma_wait3A_144 = tpu.memref_slice %arg16[%dma_wait3A_142, %dma_wait3A_143] : memref<10240x128xf32, #tpu.memory_space<vmem_shared>> -> memref<10240x128xf32, #tpu.memory_space<vmem_shared>>
        tpu.wait_indirect_dma semaphore(%arg20 : memref<!tpu.dma_semaphore, #tpu.memory_space<semaphore_mem>>) src(%arg11 : memref<128x128xf32, #tpu.memory_space<vmem>>) dst(%dma_wait3A_144 : memref<10240x128xf32, #tpu.memory_space<vmem_shared>>)
        %add3A_145 = arith.constant 2 : i32
        %add3A_146 = arith.addi %add3A_118, %add3A_145 : i32
        %scan3A_147 = arith.constant 0 : i32
        %scan3A_148 = arith.constant 8 : i32
        %scan3A_149 = arith.addi %scan3A_147, %scan3A_148 : i32
        %scan3A_150 = arith.constant 1 : i32
        scf.for %scan3A_164 = %scan3A_147 to %scan3A_149 step %scan3A_150  : i32 {
          %mul3A_165 = arith.constant 1 : i32
          %mul3A_166 = arith.muli %scan3A_164, %mul3A_165 : i32
          %add3A_167 = arith.constant 0 : i32
          %add3A_168 = arith.addi %add3A_167, %mul3A_166 : i32
          %mul3A_169 = arith.constant 16 : i32
          %mul3A_170 = arith.muli %add3A_168, %mul3A_169 : i32
          %get3A = arith.index_cast %add3A_146 : i32 to index
          %get3A_171 = arith.index_cast %mul3A_170 : i32 to index
          %get3A_172 = tpu.vector_load %arg9[%get3A, %get3A_171] {strides = array<i32>} : memref<80x128xi32, #tpu.memory_space<vmem>>, vector<1x16xi32>,
          %get3A_173 = vector.shape_cast %get3A_172 : vector<1x16xi32> to vector<16xi32>
          %and3A = arith.constant 65535 : i32
          %and3A_174 = vector.broadcast %and3A : i32 to vector<16xi32>
          %and3A_175 = arith.andi %get3A_173, %and3A_174 : vector<16xi32>
          %mul3A_176 = arith.constant 16 : i32
          %mul3A_177 = arith.muli %add3A_168, %mul3A_176 : i32
          %swap3A = arith.index_cast %mul3A_177 : i32 to index
          %swap3A_178 = tpu.vector_load %arg13[%swap3A] {strides = array<i32>} : memref<128xi32, #tpu.memory_space<vmem>>, vector<16xi32>,
          %swap3A_179 = vector.shape_cast %swap3A_178 : vector<16xi32> to vector<16xi32>
          %swap3A_180 = vector.shape_cast %and3A_175 : vector<16xi32> to vector<16xi32>
          tpu.vector_store %arg13[%swap3A], %swap3A_180 {strides = array<i32>} : memref<128xi32, #tpu.memory_space<vmem>>, vector<16xi32>,
          %shift_right_logical3A = arith.constant 16 : i32
          %shift_right_logical3A_181 = vector.broadcast %shift_right_logical3A : i32 to vector<16xi32>
          %shift_right_logical3A_182 = arith.shrui %get3A_173, %shift_right_logical3A_181 : vector<16xi32>
          %mul3A_183 = arith.constant 16 : i32
          %mul3A_184 = arith.muli %add3A_168, %mul3A_183 : i32
          %swap3A_185 = arith.index_cast %mul3A_184 : i32 to index
          %swap3A_186 = tpu.vector_load %arg15[%swap3A_185] {strides = array<i32>} : memref<128xi32, #tpu.memory_space<vmem>>, vector<16xi32>,
          %swap3A_187 = vector.shape_cast %swap3A_186 : vector<16xi32> to vector<16xi32>
          %swap3A_188 = vector.shape_cast %shift_right_logical3A_182 : vector<16xi32> to vector<16xi32>
          tpu.vector_store %arg15[%swap3A_185], %swap3A_188 {strides = array<i32>} : memref<128xi32, #tpu.memory_space<vmem>>, vector<16xi32>,
        }
        %scan3A_151 = arith.constant 8 : i32
        %add3A_152 = arith.constant 2 : i32
        %add3A_153 = arith.addi %add3A_118, %add3A_152 : i32
        %eq3A_154 = arith.constant 0 : i32
        %eq3A_155 = arith.cmpi eq, %arg0, %eq3A_154 : i32
        %convert_element_type3A_156 = arith.extui %eq3A_155 : i1 to i32
        %cond3A_157 = arith.constant 0 : i32
        %cond3A_158 = arith.cmpi ne, %convert_element_type3A_156, %cond3A_157 : i32
        scf.if %cond3A_158 {
          %dma_start3A_164 = arith.constant 0 : i32
          %dma_start3A_165 = arith.constant 0 : i32
          %dma_start3A_166 = tpu.memref_slice %arg3[%dma_start3A_164, %dma_start3A_165] : memref<10000x128xf32, #tpu.memory_space<hbm>> -> memref<10000x128xf32, #tpu.memory_space<hbm>>
          tpu.enqueue_indirect_dma source(%dma_start3A_166 : memref<10000x128xf32, #tpu.memory_space<hbm>>) target(%arg11 : memref<128x128xf32, #tpu.memory_space<vmem>>) offsets(%arg13 : memref<128xi32, #tpu.memory_space<vmem>>) semaphore(%arg18 : memref<!tpu.dma_semaphore, #tpu.memory_space<semaphore_mem>>)
        } else {
        }
        %eq3A_159 = arith.constant 1 : i32
        %eq3A_160 = arith.cmpi eq, %arg0, %eq3A_159 : i32
        %convert_element_type3A_161 = arith.extui %eq3A_160 : i1 to i32
        %cond3A_162 = arith.constant 0 : i32
        %cond3A_163 = arith.cmpi ne, %convert_element_type3A_161, %cond3A_162 : i32
        scf.if %cond3A_163 {
          %dma_start3A_164 = arith.constant 0 : i32
          %dma_start3A_165 = arith.constant 0 : i32
          %dma_start3A_166 = tpu.memref_slice %arg4[%dma_start3A_164, %dma_start3A_165] : memref<10000x128xf32, #tpu.memory_space<hbm>> -> memref<10000x128xf32, #tpu.memory_space<hbm>>
          tpu.enqueue_indirect_dma source(%dma_start3A_166 : memref<10000x128xf32, #tpu.memory_space<hbm>>) target(%arg11 : memref<128x128xf32, #tpu.memory_space<vmem>>) offsets(%arg13 : memref<128xi32, #tpu.memory_space<vmem>>) semaphore(%arg18 : memref<!tpu.dma_semaphore, #tpu.memory_space<semaphore_mem>>)
        } else {
        }
      } else {
      }
    }
    %scan3A_61 = arith.constant 40 : i32
    %dma_wait3A = arith.constant 0 : i32
    %dma_wait3A_62 = arith.constant 0 : i32
    %dma_wait3A_63 = tpu.memref_slice %arg16[%dma_wait3A, %dma_wait3A_62] : memref<10240x128xf32, #tpu.memory_space<vmem_shared>> -> memref<10240x128xf32, #tpu.memory_space<vmem_shared>>
    tpu.wait_indirect_dma semaphore(%arg19 : memref<!tpu.dma_semaphore, #tpu.memory_space<semaphore_mem>>) src(%arg10 : memref<128x128xf32, #tpu.memory_space<vmem>>) dst(%dma_wait3A_63 : memref<10240x128xf32, #tpu.memory_space<vmem_shared>>)
    %dma_wait3A_64 = arith.constant 0 : i32
    %dma_wait3A_65 = arith.constant 0 : i32
    %dma_wait3A_66 = tpu.memref_slice %arg16[%dma_wait3A_64, %dma_wait3A_65] : memref<10240x128xf32, #tpu.memory_space<vmem_shared>> -> memref<10240x128xf32, #tpu.memory_space<vmem_shared>>
    tpu.wait_indirect_dma semaphore(%arg20 : memref<!tpu.dma_semaphore, #tpu.memory_space<semaphore_mem>>) src(%arg11 : memref<128x128xf32, #tpu.memory_space<vmem>>) dst(%dma_wait3A_66 : memref<10240x128xf32, #tpu.memory_space<vmem_shared>>)
    %barrier3A_67 = arith.constant 0 : index
    tpu.barrier barrier_id(%barrier3A_67)
    %eq3A_68 = arith.constant 0 : i32
    %eq3A_69 = arith.cmpi eq, %arg0, %eq3A_68 : i32
    %convert_element_type3A_70 = arith.extui %eq3A_69 : i1 to i32
    %cond3A_71 = arith.constant 0 : i32
    %cond3A_72 = arith.cmpi ne, %convert_element_type3A_70, %cond3A_71 : i32
    scf.if %cond3A_72 {
      "tpu.region"() ({
        %run_scoped3A = tpu.sem_alloc : memref<!tpu.dma_semaphore, #tpu.memory_space<semaphore_mem>>
        %dma_start3A = arith.constant 0 : i32
        %dma_start3A_88 = tpu.memref_slice %arg5[%mul3A_0, %dma_start3A] : memref<10240x128xf32, #tpu.memory_space<hbm>> -> memref<640x128xf32, #tpu.memory_space<hbm>>
        %dma_start3A_89 = arith.constant 0 : i32
        %dma_start3A_90 = tpu.memref_slice %arg16[%mul3A_0, %dma_start3A_89] : memref<10240x128xf32, #tpu.memory_space<vmem_shared>> -> memref<640x128xf32, #tpu.memory_space<vmem_shared>>
        tpu.enqueue_dma source(%dma_start3A_90 : memref<640x128xf32, #tpu.memory_space<vmem_shared>>) target(%dma_start3A_88 : memref<640x128xf32, #tpu.memory_space<hbm>>) target_semaphore(%run_scoped3A : memref<!tpu.dma_semaphore, #tpu.memory_space<semaphore_mem>>)
        %dma_wait3A_91 = arith.constant 0 : i32
        %dma_wait3A_92 = tpu.memref_slice %arg5[%mul3A_0, %dma_wait3A_91] : memref<10240x128xf32, #tpu.memory_space<hbm>> -> memref<640x128xf32, #tpu.memory_space<hbm>>
        %dma_wait3A_93 = arith.constant 0 : i32
        %dma_wait3A_94 = tpu.memref_slice %arg16[%mul3A_0, %dma_wait3A_93] : memref<10240x128xf32, #tpu.memory_space<vmem_shared>> -> memref<640x128xf32, #tpu.memory_space<vmem_shared>>
        tpu.wait_dma2 semaphore(%run_scoped3A : memref<!tpu.dma_semaphore, #tpu.memory_space<semaphore_mem>>) src(%dma_wait3A_94 : memref<640x128xf32, #tpu.memory_space<vmem_shared>>) dst(%dma_wait3A_92 : memref<640x128xf32, #tpu.memory_space<hbm>>)
        tpu.yield
      }) : () -> ()
    } else {
    }
    %eq3A_73 = arith.constant 1 : i32
    %eq3A_74 = arith.cmpi eq, %arg0, %eq3A_73 : i32
    %convert_element_type3A_75 = arith.extui %eq3A_74 : i1 to i32
    %cond3A_76 = arith.constant 0 : i32
    %cond3A_77 = arith.cmpi ne, %convert_element_type3A_75, %cond3A_76 : i32
    scf.if %cond3A_77 {
      "tpu.region"() ({
        %run_scoped3A = tpu.sem_alloc : memref<!tpu.dma_semaphore, #tpu.memory_space<semaphore_mem>>
        %dma_start3A = arith.constant 0 : i32
        %dma_start3A_88 = tpu.memref_slice %arg6[%mul3A_0, %dma_start3A] : memref<10240x128xf32, #tpu.memory_space<hbm>> -> memref<640x128xf32, #tpu.memory_space<hbm>>
        %dma_start3A_89 = arith.constant 0 : i32
        %dma_start3A_90 = tpu.memref_slice %arg16[%mul3A_0, %dma_start3A_89] : memref<10240x128xf32, #tpu.memory_space<vmem_shared>> -> memref<640x128xf32, #tpu.memory_space<vmem_shared>>
        tpu.enqueue_dma source(%dma_start3A_90 : memref<640x128xf32, #tpu.memory_space<vmem_shared>>) target(%dma_start3A_88 : memref<640x128xf32, #tpu.memory_space<hbm>>) target_semaphore(%run_scoped3A : memref<!tpu.dma_semaphore, #tpu.memory_space<semaphore_mem>>)
        %dma_wait3A_91 = arith.constant 0 : i32
        %dma_wait3A_92 = tpu.memref_slice %arg6[%mul3A_0, %dma_wait3A_91] : memref<10240x128xf32, #tpu.memory_space<hbm>> -> memref<640x128xf32, #tpu.memory_space<hbm>>
        %dma_wait3A_93 = arith.constant 0 : i32
        %dma_wait3A_94 = tpu.memref_slice %arg16[%mul3A_0, %dma_wait3A_93] : memref<10240x128xf32, #tpu.memory_space<vmem_shared>> -> memref<640x128xf32, #tpu.memory_space<vmem_shared>>
        tpu.wait_dma2 semaphore(%run_scoped3A : memref<!tpu.dma_semaphore, #tpu.memory_space<semaphore_mem>>) src(%dma_wait3A_94 : memref<640x128xf32, #tpu.memory_space<vmem_shared>>) dst(%dma_wait3A_92 : memref<640x128xf32, #tpu.memory_space<hbm>>)
        tpu.yield
      }) : () -> ()
    } else {
    }
    %eq3A_78 = arith.constant 0 : i32
    %eq3A_79 = arith.cmpi eq, %arg0, %eq3A_78 : i32
    %convert_element_type3A_80 = arith.extui %eq3A_79 : i1 to i32
    %cond3A_81 = arith.constant 0 : i32
    %cond3A_82 = arith.cmpi ne, %convert_element_type3A_80, %cond3A_81 : i32
    scf.if %cond3A_82 {
      "tpu.region"() ({
        %run_scoped3A = tpu.sem_alloc : memref<!tpu.dma_semaphore, #tpu.memory_space<semaphore_mem>>
        %dma_start3A = tpu.memref_slice %arg7[%mul3A_0] : memref<10240xf32, #tpu.memory_space<hbm>> -> memref<640xf32, #tpu.memory_space<hbm>>
        %dma_start3A_88 = tpu.memref_slice %arg23[%mul3A_0] : memref<10240xf32, #tpu.memory_space<vmem_shared>> -> memref<640xf32, #tpu.memory_space<vmem_shared>>
        tpu.enqueue_dma source(%dma_start3A_88 : memref<640xf32, #tpu.memory_space<vmem_shared>>) target(%dma_start3A : memref<640xf32, #tpu.memory_space<hbm>>) target_semaphore(%run_scoped3A : memref<!tpu.dma_semaphore, #tpu.memory_space<semaphore_mem>>)
        %dma_wait3A_89 = tpu.memref_slice %arg7[%mul3A_0] : memref<10240xf32, #tpu.memory_space<hbm>> -> memref<640xf32, #tpu.memory_space<hbm>>
        %dma_wait3A_90 = tpu.memref_slice %arg23[%mul3A_0] : memref<10240xf32, #tpu.memory_space<vmem_shared>> -> memref<640xf32, #tpu.memory_space<vmem_shared>>
        tpu.wait_dma2 semaphore(%run_scoped3A : memref<!tpu.dma_semaphore, #tpu.memory_space<semaphore_mem>>) src(%dma_wait3A_90 : memref<640xf32, #tpu.memory_space<vmem_shared>>) dst(%dma_wait3A_89 : memref<640xf32, #tpu.memory_space<hbm>>)
        tpu.yield
      }) : () -> ()
    } else {
    }
    %eq3A_83 = arith.constant 1 : i32
    %eq3A_84 = arith.cmpi eq, %arg0, %eq3A_83 : i32
    %convert_element_type3A_85 = arith.extui %eq3A_84 : i1 to i32
    %cond3A_86 = arith.constant 0 : i32
    %cond3A_87 = arith.cmpi ne, %convert_element_type3A_85, %cond3A_86 : i32
    scf.if %cond3A_87 {
      "tpu.region"() ({
        %run_scoped3A = tpu.sem_alloc : memref<!tpu.dma_semaphore, #tpu.memory_space<semaphore_mem>>
        %dma_start3A = tpu.memref_slice %arg8[%mul3A_0] : memref<10240xf32, #tpu.memory_space<hbm>> -> memref<640xf32, #tpu.memory_space<hbm>>
        %dma_start3A_88 = tpu.memref_slice %arg23[%mul3A_0] : memref<10240xf32, #tpu.memory_space<vmem_shared>> -> memref<640xf32, #tpu.memory_space<vmem_shared>>
        tpu.enqueue_dma source(%dma_start3A_88 : memref<640xf32, #tpu.memory_space<vmem_shared>>) target(%dma_start3A : memref<640xf32, #tpu.memory_space<hbm>>) target_semaphore(%run_scoped3A : memref<!tpu.dma_semaphore, #tpu.memory_space<semaphore_mem>>)
        %dma_wait3A_89 = tpu.memref_slice %arg8[%mul3A_0] : memref<10240xf32, #tpu.memory_space<hbm>> -> memref<640xf32, #tpu.memory_space<hbm>>
        %dma_wait3A_90 = tpu.memref_slice %arg23[%mul3A_0] : memref<10240xf32, #tpu.memory_space<vmem_shared>> -> memref<640xf32, #tpu.memory_space<vmem_shared>>
        tpu.wait_dma2 semaphore(%run_scoped3A : memref<!tpu.dma_semaphore, #tpu.memory_space<semaphore_mem>>) src(%dma_wait3A_90 : memref<640xf32, #tpu.memory_space<vmem_shared>>) dst(%dma_wait3A_89 : memref<640xf32, #tpu.memory_space<hbm>>)
        tpu.yield
      }) : () -> ()
    } else {
    }
    return
  }
}

#map = affine_map<(d0, d1) -> (0, 0, 0, 0)>
#map1 = affine_map<(d0, d1) -> (0, 0)>
module attributes {stable_mosaic.version = 14 : i64} {
  func.func @body(%arg0: i32, %arg1: i32, %arg2: memref<2x16x40x128xi32, #tpu.memory_space<hbm>>, %arg3: memref<10000x128xf32, #tpu.memory_space<hbm>>, %arg4: memref<10240x128xf32, #tpu.memory_space<hbm>>, %arg5: memref<10240x128xf32, #tpu.memory_space<hbm>>, %arg6: memref<40x128xi32, #tpu.memory_space<vmem>>, %arg7: memref<128x128xf32, #tpu.memory_space<vmem>>, %arg8: memref<128x128xf32, #tpu.memory_space<vmem>>, %arg9: memref<128xi32, #tpu.memory_space<vmem>>, %arg10: memref<128xi32, #tpu.memory_space<vmem>>, %arg11: memref<128xi32, #tpu.memory_space<vmem>>, %arg12: memref<128xi32, #tpu.memory_space<vmem>>, %arg13: memref<10240x128xf32, #tpu.memory_space<vmem_shared>>, %arg14: memref<!tpu.dma_semaphore, #tpu.memory_space<semaphore_mem>>, %arg15: memref<!tpu.dma_semaphore, #tpu.memory_space<semaphore_mem>>, %arg16: memref<!tpu.dma_semaphore, #tpu.memory_space<semaphore_mem>>, %arg17: memref<!tpu.dma_semaphore, #tpu.memory_space<semaphore_mem>>) attributes {dimension_semantics = [#tpu.dimension_semantics<core_parallel>, #tpu.dimension_semantics<subcore_parallel>], iteration_bounds = array<i64: 2, 16>, scalar_prefetch = 0 : i64, scratch_operands = 12 : i64, tpu.core_type = #tpu.core_type<sc_vector_subcore>, window_params = [{transform_indices = #map}, {transform_indices = #map1}, {transform_indices = #map1}, {transform_indices = #map1}]} {
    %mul3A = arith.constant 640 : i32
    %mul3A_0 = arith.muli %arg1, %mul3A : i32
    %broadcast_in_dim3A = arith.constant 0.000000e+00 : f32
    %broadcast_in_dim3A_1 = vector.broadcast %broadcast_in_dim3A : f32 to vector<16xf32>
    "tpu.region"() ({
      %run_scoped3A = tpu.sem_alloc : memref<!tpu.dma_semaphore, #tpu.memory_space<semaphore_mem>>
      %dma_start3A_46 = arith.constant 0 : i32
      %dma_start3A_47 = arith.constant 0 : i32
      %dma_start3A_48 = tpu.memref_slice %arg2[%arg0, %arg1, %dma_start3A_46, %dma_start3A_47] : memref<2x16x40x128xi32, #tpu.memory_space<hbm>> -> memref<1x1x40x128xi32, #tpu.memory_space<hbm>>
      %dma_start3A_49 = tpu.memref_squeeze %dma_start3A_48 : memref<1x1x40x128xi32, #tpu.memory_space<hbm>> -> memref<40x128xi32, #tpu.memory_space<hbm>>
      %dma_start3A_50 = arith.constant 0 : i32
      %dma_start3A_51 = arith.constant 0 : i32
      %dma_start3A_52 = tpu.memref_slice %arg2[%arg0, %arg1, %dma_start3A_50, %dma_start3A_51] : memref<2x16x40x128xi32, #tpu.memory_space<hbm>> -> memref<1x1x40x128xi32, #tpu.memory_space<hbm>>
      %dma_start3A_53 = tpu.memref_squeeze %dma_start3A_52 : memref<1x1x40x128xi32, #tpu.memory_space<hbm>> -> memref<40x128xi32, #tpu.memory_space<hbm>>
      tpu.enqueue_dma source(%dma_start3A_53 : memref<40x128xi32, #tpu.memory_space<hbm>>) target(%arg6 : memref<40x128xi32, #tpu.memory_space<vmem>>) target_semaphore(%run_scoped3A : memref<!tpu.dma_semaphore, #tpu.memory_space<semaphore_mem>>)
      %dma_wait3A_54 = arith.constant 0 : i32
      %dma_wait3A_55 = arith.constant 0 : i32
      %dma_wait3A_56 = tpu.memref_slice %arg2[%arg0, %arg1, %dma_wait3A_54, %dma_wait3A_55] : memref<2x16x40x128xi32, #tpu.memory_space<hbm>> -> memref<1x1x40x128xi32, #tpu.memory_space<hbm>>
      %dma_wait3A_57 = tpu.memref_squeeze %dma_wait3A_56 : memref<1x1x40x128xi32, #tpu.memory_space<hbm>> -> memref<40x128xi32, #tpu.memory_space<hbm>>
      %dma_wait3A_58 = arith.constant 0 : i32
      %dma_wait3A_59 = arith.constant 0 : i32
      %dma_wait3A_60 = tpu.memref_slice %arg2[%arg0, %arg1, %dma_wait3A_58, %dma_wait3A_59] : memref<2x16x40x128xi32, #tpu.memory_space<hbm>> -> memref<1x1x40x128xi32, #tpu.memory_space<hbm>>
      %dma_wait3A_61 = tpu.memref_squeeze %dma_wait3A_60 : memref<1x1x40x128xi32, #tpu.memory_space<hbm>> -> memref<40x128xi32, #tpu.memory_space<hbm>>
      tpu.wait_dma2 semaphore(%run_scoped3A : memref<!tpu.dma_semaphore, #tpu.memory_space<semaphore_mem>>) src(%dma_wait3A_61 : memref<40x128xi32, #tpu.memory_space<hbm>>) dst(%arg6 : memref<40x128xi32, #tpu.memory_space<vmem>>)
      tpu.yield
    }) : () -> ()
    %broadcast_in_dim3A_2 = arith.constant 0.000000e+00 : f32
    %broadcast_in_dim3A_3 = vector.broadcast %broadcast_in_dim3A_2 : f32 to vector<16xf32>
    %scan3A = arith.constant 0 : i32
    %scan3A_4 = arith.constant 128 : i32
    %scan3A_5 = arith.addi %scan3A, %scan3A_4 : i32
    %scan3A_6 = arith.constant 1 : i32
    scf.for %scan3A_46 = %scan3A to %scan3A_5 step %scan3A_6  : i32 {
      %mul3A_47 = arith.constant 1 : i32
      %mul3A_48 = arith.muli %scan3A_46, %mul3A_47 : i32
      %add3A = arith.constant 0 : i32
      %add3A_49 = arith.addi %add3A, %mul3A_48 : i32
      %scan3A_50 = arith.constant 0 : i32
      %scan3A_51 = arith.constant 8 : i32
      %scan3A_52 = arith.addi %scan3A_50, %scan3A_51 : i32
      %scan3A_53 = arith.constant 1 : i32
      scf.for %scan3A_55 = %scan3A_50 to %scan3A_52 step %scan3A_53  : i32 {
        %mul3A_56 = arith.constant 1 : i32
        %mul3A_57 = arith.muli %scan3A_55, %mul3A_56 : i32
        %add3A_58 = arith.constant 0 : i32
        %add3A_59 = arith.addi %add3A_58, %mul3A_57 : i32
        %mul3A_60 = arith.constant 16 : i32
        %mul3A_61 = arith.muli %add3A_59, %mul3A_60 : i32
        %swap3A = arith.index_cast %add3A_49 : i32 to index
        %swap3A_62 = arith.index_cast %mul3A_61 : i32 to index
        %swap3A_63 = tpu.vector_load %arg7[%swap3A, %swap3A_62] {strides = array<i32>} : memref<128x128xf32, #tpu.memory_space<vmem>>, vector<1x16xf32>,
        %swap3A_64 = vector.shape_cast %swap3A_63 : vector<1x16xf32> to vector<16xf32>
        %swap3A_65 = vector.shape_cast %broadcast_in_dim3A_3 : vector<16xf32> to vector<1x16xf32>
        tpu.vector_store %arg7[%swap3A, %swap3A_62], %swap3A_65 {strides = array<i32>} : memref<128x128xf32, #tpu.memory_space<vmem>>, vector<1x16xf32>,
      }
      %scan3A_54 = arith.constant 8 : i32
    }
    %scan3A_7 = arith.constant 128 : i32
    %scan3A_8 = arith.constant 0 : i32
    %scan3A_9 = arith.constant 5 : i32
    %scan3A_10 = arith.addi %scan3A_8, %scan3A_9 : i32
    %scan3A_11 = arith.constant 1 : i32
    scf.for %scan3A_46 = %scan3A_8 to %scan3A_10 step %scan3A_11  : i32 {
      %mul3A_47 = arith.constant 1 : i32
      %mul3A_48 = arith.muli %scan3A_46, %mul3A_47 : i32
      %add3A = arith.constant 0 : i32
      %add3A_49 = arith.addi %add3A, %mul3A_48 : i32
      %mul3A_50 = arith.constant 128 : i32
      %mul3A_51 = arith.muli %add3A_49, %mul3A_50 : i32
      %add3A_52 = arith.addi %mul3A_0, %mul3A_51 : i32
      "tpu.region"() ({
        %run_scoped3A = tpu.sem_alloc : memref<!tpu.dma_semaphore, #tpu.memory_space<semaphore_mem>>
        %dma_start3A_53 = arith.constant 0 : i32
        %dma_start3A_54 = tpu.memref_slice %arg13[%add3A_52, %dma_start3A_53] : memref<10240x128xf32, #tpu.memory_space<vmem_shared>> -> memref<128x128xf32, #tpu.memory_space<vmem_shared>>
        %dma_start3A_55 = arith.constant 0 : i32
        %dma_start3A_56 = tpu.memref_slice %arg13[%add3A_52, %dma_start3A_55] : memref<10240x128xf32, #tpu.memory_space<vmem_shared>> -> memref<128x128xf32, #tpu.memory_space<vmem_shared>>
        tpu.enqueue_dma source(%arg7 : memref<128x128xf32, #tpu.memory_space<vmem>>) target(%dma_start3A_56 : memref<128x128xf32, #tpu.memory_space<vmem_shared>>) target_semaphore(%run_scoped3A : memref<!tpu.dma_semaphore, #tpu.memory_space<semaphore_mem>>)
        %dma_wait3A_57 = arith.constant 0 : i32
        %dma_wait3A_58 = tpu.memref_slice %arg13[%add3A_52, %dma_wait3A_57] : memref<10240x128xf32, #tpu.memory_space<vmem_shared>> -> memref<128x128xf32, #tpu.memory_space<vmem_shared>>
        %dma_wait3A_59 = arith.constant 0 : i32
        %dma_wait3A_60 = tpu.memref_slice %arg13[%add3A_52, %dma_wait3A_59] : memref<10240x128xf32, #tpu.memory_space<vmem_shared>> -> memref<128x128xf32, #tpu.memory_space<vmem_shared>>
        tpu.wait_dma2 semaphore(%run_scoped3A : memref<!tpu.dma_semaphore, #tpu.memory_space<semaphore_mem>>) src(%arg7 : memref<128x128xf32, #tpu.memory_space<vmem>>) dst(%dma_wait3A_60 : memref<128x128xf32, #tpu.memory_space<vmem_shared>>)
        tpu.yield
      }) : () -> ()
    }
    %scan3A_12 = arith.constant 5 : i32
    %scan3A_13 = arith.constant 0 : i32
    %scan3A_14 = arith.constant 8 : i32
    %scan3A_15 = arith.addi %scan3A_13, %scan3A_14 : i32
    %scan3A_16 = arith.constant 1 : i32
    scf.for %scan3A_46 = %scan3A_13 to %scan3A_15 step %scan3A_16  : i32 {
      %mul3A_47 = arith.constant 1 : i32
      %mul3A_48 = arith.muli %scan3A_46, %mul3A_47 : i32
      %add3A = arith.constant 0 : i32
      %add3A_49 = arith.addi %add3A, %mul3A_48 : i32
      %mul3A_50 = arith.constant 16 : i32
      %mul3A_51 = arith.muli %add3A_49, %mul3A_50 : i32
      %get3A = arith.constant 0 : i32
      %get3A_52 = arith.index_cast %get3A : i32 to index
      %get3A_53 = arith.index_cast %mul3A_51 : i32 to index
      %get3A_54 = tpu.vector_load %arg6[%get3A_52, %get3A_53] {strides = array<i32>} : memref<40x128xi32, #tpu.memory_space<vmem>>, vector<1x16xi32>,
      %get3A_55 = vector.shape_cast %get3A_54 : vector<1x16xi32> to vector<16xi32>
      %and3A = arith.constant 65535 : i32
      %and3A_56 = vector.broadcast %and3A : i32 to vector<16xi32>
      %and3A_57 = arith.andi %get3A_55, %and3A_56 : vector<16xi32>
      %mul3A_58 = arith.constant 16 : i32
      %mul3A_59 = arith.muli %add3A_49, %mul3A_58 : i32
      %swap3A = arith.index_cast %mul3A_59 : i32 to index
      %swap3A_60 = tpu.vector_load %arg9[%swap3A] {strides = array<i32>} : memref<128xi32, #tpu.memory_space<vmem>>, vector<16xi32>,
      %swap3A_61 = vector.shape_cast %swap3A_60 : vector<16xi32> to vector<16xi32>
      %swap3A_62 = vector.shape_cast %and3A_57 : vector<16xi32> to vector<16xi32>
      tpu.vector_store %arg9[%swap3A], %swap3A_62 {strides = array<i32>} : memref<128xi32, #tpu.memory_space<vmem>>, vector<16xi32>,
      %shift_right_logical3A = arith.constant 16 : i32
      %shift_right_logical3A_63 = vector.broadcast %shift_right_logical3A : i32 to vector<16xi32>
      %shift_right_logical3A_64 = arith.shrui %get3A_55, %shift_right_logical3A_63 : vector<16xi32>
      %mul3A_65 = arith.constant 16 : i32
      %mul3A_66 = arith.muli %add3A_49, %mul3A_65 : i32
      %swap3A_67 = arith.index_cast %mul3A_66 : i32 to index
      %swap3A_68 = tpu.vector_load %arg11[%swap3A_67] {strides = array<i32>} : memref<128xi32, #tpu.memory_space<vmem>>, vector<16xi32>,
      %swap3A_69 = vector.shape_cast %swap3A_68 : vector<16xi32> to vector<16xi32>
      %swap3A_70 = vector.shape_cast %shift_right_logical3A_64 : vector<16xi32> to vector<16xi32>
      tpu.vector_store %arg11[%swap3A_67], %swap3A_70 {strides = array<i32>} : memref<128xi32, #tpu.memory_space<vmem>>, vector<16xi32>,
    }
    %scan3A_17 = arith.constant 8 : i32
    %dma_start3A = arith.constant 0 : i32
    %dma_start3A_18 = arith.constant 0 : i32
    %dma_start3A_19 = tpu.memref_slice %arg3[%dma_start3A, %dma_start3A_18] : memref<10000x128xf32, #tpu.memory_space<hbm>> -> memref<10000x128xf32, #tpu.memory_space<hbm>>
    tpu.enqueue_indirect_dma source(%dma_start3A_19 : memref<10000x128xf32, #tpu.memory_space<hbm>>) target(%arg7 : memref<128x128xf32, #tpu.memory_space<vmem>>) offsets(%arg9 : memref<128xi32, #tpu.memory_space<vmem>>) semaphore(%arg14 : memref<!tpu.dma_semaphore, #tpu.memory_space<semaphore_mem>>)
    %scan3A_20 = arith.constant 0 : i32
    %scan3A_21 = arith.constant 8 : i32
    %scan3A_22 = arith.addi %scan3A_20, %scan3A_21 : i32
    %scan3A_23 = arith.constant 1 : i32
    scf.for %scan3A_46 = %scan3A_20 to %scan3A_22 step %scan3A_23  : i32 {
      %mul3A_47 = arith.constant 1 : i32
      %mul3A_48 = arith.muli %scan3A_46, %mul3A_47 : i32
      %add3A = arith.constant 0 : i32
      %add3A_49 = arith.addi %add3A, %mul3A_48 : i32
      %mul3A_50 = arith.constant 16 : i32
      %mul3A_51 = arith.muli %add3A_49, %mul3A_50 : i32
      %get3A = arith.constant 1 : i32
      %get3A_52 = arith.index_cast %get3A : i32 to index
      %get3A_53 = arith.index_cast %mul3A_51 : i32 to index
      %get3A_54 = tpu.vector_load %arg6[%get3A_52, %get3A_53] {strides = array<i32>} : memref<40x128xi32, #tpu.memory_space<vmem>>, vector<1x16xi32>,
      %get3A_55 = vector.shape_cast %get3A_54 : vector<1x16xi32> to vector<16xi32>
      %and3A = arith.constant 65535 : i32
      %and3A_56 = vector.broadcast %and3A : i32 to vector<16xi32>
      %and3A_57 = arith.andi %get3A_55, %and3A_56 : vector<16xi32>
      %mul3A_58 = arith.constant 16 : i32
      %mul3A_59 = arith.muli %add3A_49, %mul3A_58 : i32
      %swap3A = arith.index_cast %mul3A_59 : i32 to index
      %swap3A_60 = tpu.vector_load %arg10[%swap3A] {strides = array<i32>} : memref<128xi32, #tpu.memory_space<vmem>>, vector<16xi32>,
      %swap3A_61 = vector.shape_cast %swap3A_60 : vector<16xi32> to vector<16xi32>
      %swap3A_62 = vector.shape_cast %and3A_57 : vector<16xi32> to vector<16xi32>
      tpu.vector_store %arg10[%swap3A], %swap3A_62 {strides = array<i32>} : memref<128xi32, #tpu.memory_space<vmem>>, vector<16xi32>,
      %shift_right_logical3A = arith.constant 16 : i32
      %shift_right_logical3A_63 = vector.broadcast %shift_right_logical3A : i32 to vector<16xi32>
      %shift_right_logical3A_64 = arith.shrui %get3A_55, %shift_right_logical3A_63 : vector<16xi32>
      %mul3A_65 = arith.constant 16 : i32
      %mul3A_66 = arith.muli %add3A_49, %mul3A_65 : i32
      %swap3A_67 = arith.index_cast %mul3A_66 : i32 to index
      %swap3A_68 = tpu.vector_load %arg12[%swap3A_67] {strides = array<i32>} : memref<128xi32, #tpu.memory_space<vmem>>, vector<16xi32>,
      %swap3A_69 = vector.shape_cast %swap3A_68 : vector<16xi32> to vector<16xi32>
      %swap3A_70 = vector.shape_cast %shift_right_logical3A_64 : vector<16xi32> to vector<16xi32>
      tpu.vector_store %arg12[%swap3A_67], %swap3A_70 {strides = array<i32>} : memref<128xi32, #tpu.memory_space<vmem>>, vector<16xi32>,
    }
    %scan3A_24 = arith.constant 8 : i32
    %dma_start3A_25 = arith.constant 0 : i32
    %dma_start3A_26 = arith.constant 0 : i32
    %dma_start3A_27 = tpu.memref_slice %arg3[%dma_start3A_25, %dma_start3A_26] : memref<10000x128xf32, #tpu.memory_space<hbm>> -> memref<10000x128xf32, #tpu.memory_space<hbm>>
    tpu.enqueue_indirect_dma source(%dma_start3A_27 : memref<10000x128xf32, #tpu.memory_space<hbm>>) target(%arg8 : memref<128x128xf32, #tpu.memory_space<vmem>>) offsets(%arg10 : memref<128xi32, #tpu.memory_space<vmem>>) semaphore(%arg15 : memref<!tpu.dma_semaphore, #tpu.memory_space<semaphore_mem>>)
    %barrier3A = arith.constant 0 : index
    tpu.barrier barrier_id(%barrier3A)
    %scan3A_28 = arith.constant 0 : i32
    %scan3A_29 = arith.constant 20 : i32
    %scan3A_30 = arith.addi %scan3A_28, %scan3A_29 : i32
    %scan3A_31 = arith.constant 1 : i32
    scf.for %scan3A_46 = %scan3A_28 to %scan3A_30 step %scan3A_31  : i32 {
      %mul3A_47 = arith.constant 1 : i32
      %mul3A_48 = arith.muli %scan3A_46, %mul3A_47 : i32
      %add3A = arith.constant 0 : i32
      %add3A_49 = arith.addi %add3A, %mul3A_48 : i32
      %mul3A_50 = arith.constant 2 : i32
      %mul3A_51 = arith.muli %add3A_49, %mul3A_50 : i32
      %add3A_52 = arith.constant 0 : i32
      %add3A_53 = arith.addi %mul3A_51, %add3A_52 : i32
      %dma_wait3A_54 = arith.constant 0 : i32
      %dma_wait3A_55 = arith.constant 0 : i32
      %dma_wait3A_56 = tpu.memref_slice %arg3[%dma_wait3A_54, %dma_wait3A_55] : memref<10000x128xf32, #tpu.memory_space<hbm>> -> memref<10000x128xf32, #tpu.memory_space<hbm>>
      tpu.wait_indirect_dma semaphore(%arg14 : memref<!tpu.dma_semaphore, #tpu.memory_space<semaphore_mem>>) src(%dma_wait3A_56 : memref<10000x128xf32, #tpu.memory_space<hbm>>) dst(%arg7 : memref<128x128xf32, #tpu.memory_space<vmem>>)
      %dma_start3A_57 = arith.constant 0 : i32
      %dma_start3A_58 = arith.constant 0 : i32
      %dma_start3A_59 = tpu.memref_slice %arg13[%dma_start3A_57, %dma_start3A_58] : memref<10240x128xf32, #tpu.memory_space<vmem_shared>> -> memref<10240x128xf32, #tpu.memory_space<vmem_shared>>
      tpu.enqueue_indirect_dma source(%arg7 : memref<128x128xf32, #tpu.memory_space<vmem>>) target(%dma_start3A_59 : memref<10240x128xf32, #tpu.memory_space<vmem_shared>>) offsets(%arg11 : memref<128xi32, #tpu.memory_space<vmem>>) semaphore(%arg16 : memref<!tpu.dma_semaphore, #tpu.memory_space<semaphore_mem>>) {add = true}
      %add3A_60 = arith.constant 2 : i32
      %add3A_61 = arith.addi %add3A_53, %add3A_60 : i32
      %lt3A = arith.constant 40 : i32
      %lt3A_62 = arith.cmpi slt, %add3A_61, %lt3A : i32
      %convert_element_type3A_63 = arith.extui %lt3A_62 : i1 to i32
      %cond3A_64 = arith.constant 0 : i32
      %cond3A_65 = arith.cmpi ne, %convert_element_type3A_63, %cond3A_64 : i32
      scf.if %cond3A_65 {
        %dma_wait3A_83 = arith.constant 0 : i32
        %dma_wait3A_84 = arith.constant 0 : i32
        %dma_wait3A_85 = tpu.memref_slice %arg13[%dma_wait3A_83, %dma_wait3A_84] : memref<10240x128xf32, #tpu.memory_space<vmem_shared>> -> memref<10240x128xf32, #tpu.memory_space<vmem_shared>>
        tpu.wait_indirect_dma semaphore(%arg16 : memref<!tpu.dma_semaphore, #tpu.memory_space<semaphore_mem>>) src(%arg7 : memref<128x128xf32, #tpu.memory_space<vmem>>) dst(%dma_wait3A_85 : memref<10240x128xf32, #tpu.memory_space<vmem_shared>>)
        %add3A_86 = arith.constant 2 : i32
        %add3A_87 = arith.addi %add3A_53, %add3A_86 : i32
        %scan3A_88 = arith.constant 0 : i32
        %scan3A_89 = arith.constant 8 : i32
        %scan3A_90 = arith.addi %scan3A_88, %scan3A_89 : i32
        %scan3A_91 = arith.constant 1 : i32
        scf.for %scan3A_98 = %scan3A_88 to %scan3A_90 step %scan3A_91  : i32 {
          %mul3A_99 = arith.constant 1 : i32
          %mul3A_100 = arith.muli %scan3A_98, %mul3A_99 : i32
          %add3A_101 = arith.constant 0 : i32
          %add3A_102 = arith.addi %add3A_101, %mul3A_100 : i32
          %mul3A_103 = arith.constant 16 : i32
          %mul3A_104 = arith.muli %add3A_102, %mul3A_103 : i32
          %get3A = arith.index_cast %add3A_87 : i32 to index
          %get3A_105 = arith.index_cast %mul3A_104 : i32 to index
          %get3A_106 = tpu.vector_load %arg6[%get3A, %get3A_105] {strides = array<i32>} : memref<40x128xi32, #tpu.memory_space<vmem>>, vector<1x16xi32>,
          %get3A_107 = vector.shape_cast %get3A_106 : vector<1x16xi32> to vector<16xi32>
          %and3A = arith.constant 65535 : i32
          %and3A_108 = vector.broadcast %and3A : i32 to vector<16xi32>
          %and3A_109 = arith.andi %get3A_107, %and3A_108 : vector<16xi32>
          %mul3A_110 = arith.constant 16 : i32
          %mul3A_111 = arith.muli %add3A_102, %mul3A_110 : i32
          %swap3A = arith.index_cast %mul3A_111 : i32 to index
          %swap3A_112 = tpu.vector_load %arg9[%swap3A] {strides = array<i32>} : memref<128xi32, #tpu.memory_space<vmem>>, vector<16xi32>,
          %swap3A_113 = vector.shape_cast %swap3A_112 : vector<16xi32> to vector<16xi32>
          %swap3A_114 = vector.shape_cast %and3A_109 : vector<16xi32> to vector<16xi32>
          tpu.vector_store %arg9[%swap3A], %swap3A_114 {strides = array<i32>} : memref<128xi32, #tpu.memory_space<vmem>>, vector<16xi32>,
          %shift_right_logical3A = arith.constant 16 : i32
          %shift_right_logical3A_115 = vector.broadcast %shift_right_logical3A : i32 to vector<16xi32>
          %shift_right_logical3A_116 = arith.shrui %get3A_107, %shift_right_logical3A_115 : vector<16xi32>
          %mul3A_117 = arith.constant 16 : i32
          %mul3A_118 = arith.muli %add3A_102, %mul3A_117 : i32
          %swap3A_119 = arith.index_cast %mul3A_118 : i32 to index
          %swap3A_120 = tpu.vector_load %arg11[%swap3A_119] {strides = array<i32>} : memref<128xi32, #tpu.memory_space<vmem>>, vector<16xi32>,
          %swap3A_121 = vector.shape_cast %swap3A_120 : vector<16xi32> to vector<16xi32>
          %swap3A_122 = vector.shape_cast %shift_right_logical3A_116 : vector<16xi32> to vector<16xi32>
          tpu.vector_store %arg11[%swap3A_119], %swap3A_122 {strides = array<i32>} : memref<128xi32, #tpu.memory_space<vmem>>, vector<16xi32>,
        }
        %scan3A_92 = arith.constant 8 : i32
        %add3A_93 = arith.constant 2 : i32
        %add3A_94 = arith.addi %add3A_53, %add3A_93 : i32
        %dma_start3A_95 = arith.constant 0 : i32
        %dma_start3A_96 = arith.constant 0 : i32
        %dma_start3A_97 = tpu.memref_slice %arg3[%dma_start3A_95, %dma_start3A_96] : memref<10000x128xf32, #tpu.memory_space<hbm>> -> memref<10000x128xf32, #tpu.memory_space<hbm>>
        tpu.enqueue_indirect_dma source(%dma_start3A_97 : memref<10000x128xf32, #tpu.memory_space<hbm>>) target(%arg7 : memref<128x128xf32, #tpu.memory_space<vmem>>) offsets(%arg9 : memref<128xi32, #tpu.memory_space<vmem>>) semaphore(%arg14 : memref<!tpu.dma_semaphore, #tpu.memory_space<semaphore_mem>>)
      } else {
      }
      %mul3A_66 = arith.constant 2 : i32
      %mul3A_67 = arith.muli %add3A_49, %mul3A_66 : i32
      %add3A_68 = arith.constant 1 : i32
      %add3A_69 = arith.addi %mul3A_67, %add3A_68 : i32
      %dma_wait3A_70 = arith.constant 0 : i32
      %dma_wait3A_71 = arith.constant 0 : i32
      %dma_wait3A_72 = tpu.memref_slice %arg3[%dma_wait3A_70, %dma_wait3A_71] : memref<10000x128xf32, #tpu.memory_space<hbm>> -> memref<10000x128xf32, #tpu.memory_space<hbm>>
      tpu.wait_indirect_dma semaphore(%arg15 : memref<!tpu.dma_semaphore, #tpu.memory_space<semaphore_mem>>) src(%dma_wait3A_72 : memref<10000x128xf32, #tpu.memory_space<hbm>>) dst(%arg8 : memref<128x128xf32, #tpu.memory_space<vmem>>)
      %dma_start3A_73 = arith.constant 0 : i32
      %dma_start3A_74 = arith.constant 0 : i32
      %dma_start3A_75 = tpu.memref_slice %arg13[%dma_start3A_73, %dma_start3A_74] : memref<10240x128xf32, #tpu.memory_space<vmem_shared>> -> memref<10240x128xf32, #tpu.memory_space<vmem_shared>>
      tpu.enqueue_indirect_dma source(%arg8 : memref<128x128xf32, #tpu.memory_space<vmem>>) target(%dma_start3A_75 : memref<10240x128xf32, #tpu.memory_space<vmem_shared>>) offsets(%arg12 : memref<128xi32, #tpu.memory_space<vmem>>) semaphore(%arg17 : memref<!tpu.dma_semaphore, #tpu.memory_space<semaphore_mem>>) {add = true}
      %add3A_76 = arith.constant 2 : i32
      %add3A_77 = arith.addi %add3A_69, %add3A_76 : i32
      %lt3A_78 = arith.constant 40 : i32
      %lt3A_79 = arith.cmpi slt, %add3A_77, %lt3A_78 : i32
      %convert_element_type3A_80 = arith.extui %lt3A_79 : i1 to i32
      %cond3A_81 = arith.constant 0 : i32
      %cond3A_82 = arith.cmpi ne, %convert_element_type3A_80, %cond3A_81 : i32
      scf.if %cond3A_82 {
        %dma_wait3A_83 = arith.constant 0 : i32
        %dma_wait3A_84 = arith.constant 0 : i32
        %dma_wait3A_85 = tpu.memref_slice %arg13[%dma_wait3A_83, %dma_wait3A_84] : memref<10240x128xf32, #tpu.memory_space<vmem_shared>> -> memref<10240x128xf32, #tpu.memory_space<vmem_shared>>
        tpu.wait_indirect_dma semaphore(%arg17 : memref<!tpu.dma_semaphore, #tpu.memory_space<semaphore_mem>>) src(%arg8 : memref<128x128xf32, #tpu.memory_space<vmem>>) dst(%dma_wait3A_85 : memref<10240x128xf32, #tpu.memory_space<vmem_shared>>)
        %add3A_86 = arith.constant 2 : i32
        %add3A_87 = arith.addi %add3A_69, %add3A_86 : i32
        %scan3A_88 = arith.constant 0 : i32
        %scan3A_89 = arith.constant 8 : i32
        %scan3A_90 = arith.addi %scan3A_88, %scan3A_89 : i32
        %scan3A_91 = arith.constant 1 : i32
        scf.for %scan3A_98 = %scan3A_88 to %scan3A_90 step %scan3A_91  : i32 {
          %mul3A_99 = arith.constant 1 : i32
          %mul3A_100 = arith.muli %scan3A_98, %mul3A_99 : i32
          %add3A_101 = arith.constant 0 : i32
          %add3A_102 = arith.addi %add3A_101, %mul3A_100 : i32
          %mul3A_103 = arith.constant 16 : i32
          %mul3A_104 = arith.muli %add3A_102, %mul3A_103 : i32
          %get3A = arith.index_cast %add3A_87 : i32 to index
          %get3A_105 = arith.index_cast %mul3A_104 : i32 to index
          %get3A_106 = tpu.vector_load %arg6[%get3A, %get3A_105] {strides = array<i32>} : memref<40x128xi32, #tpu.memory_space<vmem>>, vector<1x16xi32>,
          %get3A_107 = vector.shape_cast %get3A_106 : vector<1x16xi32> to vector<16xi32>
          %and3A = arith.constant 65535 : i32
          %and3A_108 = vector.broadcast %and3A : i32 to vector<16xi32>
          %and3A_109 = arith.andi %get3A_107, %and3A_108 : vector<16xi32>
          %mul3A_110 = arith.constant 16 : i32
          %mul3A_111 = arith.muli %add3A_102, %mul3A_110 : i32
          %swap3A = arith.index_cast %mul3A_111 : i32 to index
          %swap3A_112 = tpu.vector_load %arg10[%swap3A] {strides = array<i32>} : memref<128xi32, #tpu.memory_space<vmem>>, vector<16xi32>,
          %swap3A_113 = vector.shape_cast %swap3A_112 : vector<16xi32> to vector<16xi32>
          %swap3A_114 = vector.shape_cast %and3A_109 : vector<16xi32> to vector<16xi32>
          tpu.vector_store %arg10[%swap3A], %swap3A_114 {strides = array<i32>} : memref<128xi32, #tpu.memory_space<vmem>>, vector<16xi32>,
          %shift_right_logical3A = arith.constant 16 : i32
          %shift_right_logical3A_115 = vector.broadcast %shift_right_logical3A : i32 to vector<16xi32>
          %shift_right_logical3A_116 = arith.shrui %get3A_107, %shift_right_logical3A_115 : vector<16xi32>
          %mul3A_117 = arith.constant 16 : i32
          %mul3A_118 = arith.muli %add3A_102, %mul3A_117 : i32
          %swap3A_119 = arith.index_cast %mul3A_118 : i32 to index
          %swap3A_120 = tpu.vector_load %arg12[%swap3A_119] {strides = array<i32>} : memref<128xi32, #tpu.memory_space<vmem>>, vector<16xi32>,
          %swap3A_121 = vector.shape_cast %swap3A_120 : vector<16xi32> to vector<16xi32>
          %swap3A_122 = vector.shape_cast %shift_right_logical3A_116 : vector<16xi32> to vector<16xi32>
          tpu.vector_store %arg12[%swap3A_119], %swap3A_122 {strides = array<i32>} : memref<128xi32, #tpu.memory_space<vmem>>, vector<16xi32>,
        }
        %scan3A_92 = arith.constant 8 : i32
        %add3A_93 = arith.constant 2 : i32
        %add3A_94 = arith.addi %add3A_69, %add3A_93 : i32
        %dma_start3A_95 = arith.constant 0 : i32
        %dma_start3A_96 = arith.constant 0 : i32
        %dma_start3A_97 = tpu.memref_slice %arg3[%dma_start3A_95, %dma_start3A_96] : memref<10000x128xf32, #tpu.memory_space<hbm>> -> memref<10000x128xf32, #tpu.memory_space<hbm>>
        tpu.enqueue_indirect_dma source(%dma_start3A_97 : memref<10000x128xf32, #tpu.memory_space<hbm>>) target(%arg8 : memref<128x128xf32, #tpu.memory_space<vmem>>) offsets(%arg10 : memref<128xi32, #tpu.memory_space<vmem>>) semaphore(%arg15 : memref<!tpu.dma_semaphore, #tpu.memory_space<semaphore_mem>>)
      } else {
      }
    }
    %scan3A_32 = arith.constant 20 : i32
    %dma_wait3A = arith.constant 0 : i32
    %dma_wait3A_33 = arith.constant 0 : i32
    %dma_wait3A_34 = tpu.memref_slice %arg13[%dma_wait3A, %dma_wait3A_33] : memref<10240x128xf32, #tpu.memory_space<vmem_shared>> -> memref<10240x128xf32, #tpu.memory_space<vmem_shared>>
    tpu.wait_indirect_dma semaphore(%arg16 : memref<!tpu.dma_semaphore, #tpu.memory_space<semaphore_mem>>) src(%arg7 : memref<128x128xf32, #tpu.memory_space<vmem>>) dst(%dma_wait3A_34 : memref<10240x128xf32, #tpu.memory_space<vmem_shared>>)
    %dma_wait3A_35 = arith.constant 0 : i32
    %dma_wait3A_36 = arith.constant 0 : i32
    %dma_wait3A_37 = tpu.memref_slice %arg13[%dma_wait3A_35, %dma_wait3A_36] : memref<10240x128xf32, #tpu.memory_space<vmem_shared>> -> memref<10240x128xf32, #tpu.memory_space<vmem_shared>>
    tpu.wait_indirect_dma semaphore(%arg17 : memref<!tpu.dma_semaphore, #tpu.memory_space<semaphore_mem>>) src(%arg8 : memref<128x128xf32, #tpu.memory_space<vmem>>) dst(%dma_wait3A_37 : memref<10240x128xf32, #tpu.memory_space<vmem_shared>>)
    %barrier3A_38 = arith.constant 0 : index
    tpu.barrier barrier_id(%barrier3A_38)
    %eq3A = arith.constant 0 : i32
    %eq3A_39 = arith.cmpi eq, %arg0, %eq3A : i32
    %convert_element_type3A = arith.extui %eq3A_39 : i1 to i32
    %cond3A = arith.constant 0 : i32
    %cond3A_40 = arith.cmpi ne, %convert_element_type3A, %cond3A : i32
    scf.if %cond3A_40 {
      "tpu.region"() ({
        %run_scoped3A = tpu.sem_alloc : memref<!tpu.dma_semaphore, #tpu.memory_space<semaphore_mem>>
        %dma_start3A_46 = arith.constant 0 : i32
        %dma_start3A_47 = tpu.memref_slice %arg4[%mul3A_0, %dma_start3A_46] : memref<10240x128xf32, #tpu.memory_space<hbm>> -> memref<640x128xf32, #tpu.memory_space<hbm>>
        %dma_start3A_48 = arith.constant 0 : i32
        %dma_start3A_49 = tpu.memref_slice %arg13[%mul3A_0, %dma_start3A_48] : memref<10240x128xf32, #tpu.memory_space<vmem_shared>> -> memref<640x128xf32, #tpu.memory_space<vmem_shared>>
        tpu.enqueue_dma source(%dma_start3A_49 : memref<640x128xf32, #tpu.memory_space<vmem_shared>>) target(%dma_start3A_47 : memref<640x128xf32, #tpu.memory_space<hbm>>) target_semaphore(%run_scoped3A : memref<!tpu.dma_semaphore, #tpu.memory_space<semaphore_mem>>)
        %dma_wait3A_50 = arith.constant 0 : i32
        %dma_wait3A_51 = tpu.memref_slice %arg4[%mul3A_0, %dma_wait3A_50] : memref<10240x128xf32, #tpu.memory_space<hbm>> -> memref<640x128xf32, #tpu.memory_space<hbm>>
        %dma_wait3A_52 = arith.constant 0 : i32
        %dma_wait3A_53 = tpu.memref_slice %arg13[%mul3A_0, %dma_wait3A_52] : memref<10240x128xf32, #tpu.memory_space<vmem_shared>> -> memref<640x128xf32, #tpu.memory_space<vmem_shared>>
        tpu.wait_dma2 semaphore(%run_scoped3A : memref<!tpu.dma_semaphore, #tpu.memory_space<semaphore_mem>>) src(%dma_wait3A_53 : memref<640x128xf32, #tpu.memory_space<vmem_shared>>) dst(%dma_wait3A_51 : memref<640x128xf32, #tpu.memory_space<hbm>>)
        tpu.yield
      }) : () -> ()
    } else {
    }
    %eq3A_41 = arith.constant 1 : i32
    %eq3A_42 = arith.cmpi eq, %arg0, %eq3A_41 : i32
    %convert_element_type3A_43 = arith.extui %eq3A_42 : i1 to i32
    %cond3A_44 = arith.constant 0 : i32
    %cond3A_45 = arith.cmpi ne, %convert_element_type3A_43, %cond3A_44 : i32
    scf.if %cond3A_45 {
      "tpu.region"() ({
        %run_scoped3A = tpu.sem_alloc : memref<!tpu.dma_semaphore, #tpu.memory_space<semaphore_mem>>
        %dma_start3A_46 = arith.constant 0 : i32
        %dma_start3A_47 = tpu.memref_slice %arg5[%mul3A_0, %dma_start3A_46] : memref<10240x128xf32, #tpu.memory_space<hbm>> -> memref<640x128xf32, #tpu.memory_space<hbm>>
        %dma_start3A_48 = arith.constant 0 : i32
        %dma_start3A_49 = tpu.memref_slice %arg13[%mul3A_0, %dma_start3A_48] : memref<10240x128xf32, #tpu.memory_space<vmem_shared>> -> memref<640x128xf32, #tpu.memory_space<vmem_shared>>
        tpu.enqueue_dma source(%dma_start3A_49 : memref<640x128xf32, #tpu.memory_space<vmem_shared>>) target(%dma_start3A_47 : memref<640x128xf32, #tpu.memory_space<hbm>>) target_semaphore(%run_scoped3A : memref<!tpu.dma_semaphore, #tpu.memory_space<semaphore_mem>>)
        %dma_wait3A_50 = arith.constant 0 : i32
        %dma_wait3A_51 = tpu.memref_slice %arg5[%mul3A_0, %dma_wait3A_50] : memref<10240x128xf32, #tpu.memory_space<hbm>> -> memref<640x128xf32, #tpu.memory_space<hbm>>
        %dma_wait3A_52 = arith.constant 0 : i32
        %dma_wait3A_53 = tpu.memref_slice %arg13[%mul3A_0, %dma_wait3A_52] : memref<10240x128xf32, #tpu.memory_space<vmem_shared>> -> memref<640x128xf32, #tpu.memory_space<vmem_shared>>
        tpu.wait_dma2 semaphore(%run_scoped3A : memref<!tpu.dma_semaphore, #tpu.memory_space<semaphore_mem>>) src(%dma_wait3A_53 : memref<640x128xf32, #tpu.memory_space<vmem_shared>>) dst(%dma_wait3A_51 : memref<640x128xf32, #tpu.memory_space<hbm>>)
        tpu.yield
      }) : () -> ()
    } else {
    }
    return
  }
}

module attributes {stable_mosaic.version = 14 : i64} {
  func.func @_tc_a_body(%arg0: i32, %arg1: memref<512x128xf32, #tpu.memory_space<vmem>>, %arg2: memref<512x128xf32, #tpu.memory_space<vmem>>, %arg3: memref<512x1xf32, #tpu.memory_space<vmem>>, %arg4: memref<512x1xf32, #tpu.memory_space<vmem>>, %arg5: memref<512x256xf32, #tpu.memory_space<vmem>>, %arg6: memref<128x256xf32, #tpu.memory_space<vmem>>, %arg7: memref<128x256xf32, #tpu.memory_space<vmem>>, %arg8: memref<256x256xf32, #tpu.memory_space<vmem>>, %arg9: memref<256x64xf32, #tpu.memory_space<vmem>>, %arg10: memref<256x64xf32, #tpu.memory_space<vmem>>, %arg11: memref<1x64xf32, #tpu.memory_space<vmem>>, %arg12: memref<512x128xf32, #tpu.memory_space<vmem>>, %arg13: memref<512x64xf32, #tpu.memory_space<vmem>>) attributes {dimension_semantics = [#tpu.dimension_semantics<arbitrary>], iteration_bounds = array<i64: 20>, scalar_prefetch = 0 : i64, scratch_operands = 0 : i64, tpu.core_type = #tpu.core_type<tc>, window_params = [{transform_indices = @transform_0, window_bounds = array<i64: 512, 128>}, {transform_indices = @transform_1, window_bounds = array<i64: 512, 128>}, {transform_indices = @transform_2, window_bounds = array<i64: 512, 1>}, {transform_indices = @transform_3, window_bounds = array<i64: 512, 1>}, {transform_indices = @transform_4, window_bounds = array<i64: 512, 256>}, {pipeline_mode = #tpu.pipeline_mode<synchronous>, transform_indices = @transform_5, window_bounds = array<i64: 128, 256>}, {pipeline_mode = #tpu.pipeline_mode<synchronous>, transform_indices = @transform_6, window_bounds = array<i64: 128, 256>}, {pipeline_mode = #tpu.pipeline_mode<synchronous>, transform_indices = @transform_7, window_bounds = array<i64: 256, 256>}, {pipeline_mode = #tpu.pipeline_mode<synchronous>, transform_indices = @transform_8, window_bounds = array<i64: 256, 64>}, {pipeline_mode = #tpu.pipeline_mode<synchronous>, transform_indices = @transform_9, window_bounds = array<i64: 256, 64>}, {pipeline_mode = #tpu.pipeline_mode<synchronous>, transform_indices = @transform_10, window_bounds = array<i64: 1, 64>}, {transform_indices = @transform_11, window_bounds = array<i64: 512, 128>}, {transform_indices = @transform_12, window_bounds = array<i64: 512, 64>}]} {
    %get3A = arith.constant 0 : index
    %get3A_0 = arith.constant 0 : index
    %get3A_1 = vector.load %arg3[%get3A, %get3A_0] : memref<512x1xf32, #tpu.memory_space<vmem>>, vector<512x1xf32>
    %get3A_2 = arith.constant 0 : index
    %get3A_3 = arith.constant 0 : index
    %get3A_4 = vector.load %arg4[%get3A_2, %get3A_3] : memref<512x1xf32, #tpu.memory_space<vmem>>, vector<512x1xf32>
    %add3A = arith.addf %get3A_1, %get3A_4 : vector<512x1xf32>
    %max3A = arith.constant 1.000000e+00 : f32
    %max3A_5 = vector.broadcast %max3A : f32 to vector<512x1xf32>
    %max3A_6 = arith.maximumf %add3A, %max3A_5 : vector<512x1xf32>
    %div3A = arith.constant 1.000000e+00 : f32
    %div3A_7 = vector.broadcast %div3A : f32 to vector<512x1xf32>
    %div3A_8 = arith.divf %div3A_7, %max3A_6 : vector<512x1xf32>
    %get3A_9 = arith.constant 0 : index
    %get3A_10 = arith.constant 0 : index
    %get3A_11 = vector.load %arg1[%get3A_9, %get3A_10] : memref<512x128xf32, #tpu.memory_space<vmem>>, vector<512x128xf32>
    %mul3A = vector.broadcast %div3A_8 : vector<512x1xf32> to vector<512x128xf32>
    %mul3A_12 = arith.mulf %get3A_11, %mul3A : vector<512x128xf32>
    %get3A_13 = arith.constant 0 : index
    %get3A_14 = arith.constant 0 : index
    %get3A_15 = vector.load %arg2[%get3A_13, %get3A_14] : memref<512x128xf32, #tpu.memory_space<vmem>>, vector<512x128xf32>
    %mul3A_16 = vector.broadcast %div3A_8 : vector<512x1xf32> to vector<512x128xf32>
    %mul3A_17 = arith.mulf %get3A_15, %mul3A_16 : vector<512x128xf32>
    %get3A_18 = arith.constant 0 : index
    %get3A_19 = arith.constant 0 : index
    %get3A_20 = vector.load %arg6[%get3A_18, %get3A_19] : memref<128x256xf32, #tpu.memory_space<vmem>>, vector<128x256xf32>
    %dot_general3A = arith.constant dense<0.000000e+00> : vector<512x256xf32>
    %dot_general3A_21 = tpu.matmul %mul3A_12, %get3A_20, %dot_general3A {dimension_numbers = #tpu.dot_dimension_numbers<[1], [0], [0], [1], [0, 0, 1, 1], [], []>, transpose_lhs_hint = false} : vector<512x128xf32>, vector<128x256xf32>, vector<512x256xf32> -> vector<512x256xf32>
    %get3A_22 = arith.constant 0 : index
    %get3A_23 = arith.constant 0 : index
    %get3A_24 = vector.load %arg7[%get3A_22, %get3A_23] : memref<128x256xf32, #tpu.memory_space<vmem>>, vector<128x256xf32>
    %dot_general3A_25 = arith.constant dense<0.000000e+00> : vector<512x256xf32>
    %dot_general3A_26 = tpu.matmul %mul3A_17, %get3A_24, %dot_general3A_25 {dimension_numbers = #tpu.dot_dimension_numbers<[1], [0], [0], [1], [0, 0, 1, 1], [], []>, transpose_lhs_hint = false} : vector<512x128xf32>, vector<128x256xf32>, vector<512x256xf32> -> vector<512x256xf32>
    %add3A_27 = arith.addf %dot_general3A_21, %dot_general3A_26 : vector<512x256xf32>
    %get3A_28 = arith.constant 0 : index
    %get3A_29 = arith.constant 0 : index
    %get3A_30 = vector.load %arg5[%get3A_28, %get3A_29] : memref<512x256xf32, #tpu.memory_space<vmem>>, vector<512x256xf32>
    %get3A_31 = arith.constant 0 : index
    %get3A_32 = arith.constant 0 : index
    %get3A_33 = vector.load %arg8[%get3A_31, %get3A_32] : memref<256x256xf32, #tpu.memory_space<vmem>>, vector<256x256xf32>
    %dot_general3A_34 = arith.constant dense<0.000000e+00> : vector<512x256xf32>
    %dot_general3A_35 = tpu.matmul %get3A_30, %get3A_33, %dot_general3A_34 {dimension_numbers = #tpu.dot_dimension_numbers<[1], [0], [0], [1], [0, 0, 1, 1], [], []>, transpose_lhs_hint = false} : vector<512x256xf32>, vector<256x256xf32>, vector<512x256xf32> -> vector<512x256xf32>
    %add3A_36 = arith.addf %add3A_27, %dot_general3A_35 : vector<512x256xf32>
    %max3A_37 = arith.constant 0.000000e+00 : f32
    %max3A_38 = vector.broadcast %max3A_37 : f32 to vector<512x256xf32>
    %max3A_39 = arith.maximumf %add3A_36, %max3A_38 : vector<512x256xf32>
    %get3A_40 = arith.constant 0 : index
    %get3A_41 = arith.constant 0 : index
    %get3A_42 = vector.load %arg9[%get3A_40, %get3A_41] : memref<256x64xf32, #tpu.memory_space<vmem>>, vector<256x64xf32>
    %dot_general3A_43 = arith.constant dense<0.000000e+00> : vector<512x64xf32>
    %dot_general3A_44 = tpu.matmul %max3A_39, %get3A_42, %dot_general3A_43 {dimension_numbers = #tpu.dot_dimension_numbers<[1], [0], [0], [1], [0, 0, 1, 1], [], []>, transpose_lhs_hint = false} : vector<512x256xf32>, vector<256x64xf32>, vector<512x64xf32> -> vector<512x64xf32>
    %broadcast_in_dim3A = arith.constant 0.000000e+00 : f32
    %broadcast_in_dim3A_45 = vector.broadcast %broadcast_in_dim3A : f32 to vector<512x64xf32>
    %concatenate3A = tpu.concatenate %dot_general3A_44, %broadcast_in_dim3A_45 in 1 : vector<512x64xf32>, vector<512x64xf32> -> vector<512x128xf32>
    %swap3A = arith.constant 0 : index
    %swap3A_46 = arith.constant 0 : index
    %swap3A_47 = vector.load %arg12[%swap3A, %swap3A_46] : memref<512x128xf32, #tpu.memory_space<vmem>>, vector<512x128xf32>
    tpu.vector_store %arg12[%swap3A, %swap3A_46], %concatenate3A {strides = array<i32>} : memref<512x128xf32, #tpu.memory_space<vmem>>, vector<512x128xf32>,
    %get3A_48 = arith.constant 0 : index
    %get3A_49 = arith.constant 0 : index
    %get3A_50 = vector.load %arg10[%get3A_48, %get3A_49] : memref<256x64xf32, #tpu.memory_space<vmem>>, vector<256x64xf32>
    %dot_general3A_51 = arith.constant dense<0.000000e+00> : vector<512x64xf32>
    %dot_general3A_52 = tpu.matmul %max3A_39, %get3A_50, %dot_general3A_51 {dimension_numbers = #tpu.dot_dimension_numbers<[1], [0], [0], [1], [0, 0, 1, 1], [], []>, transpose_lhs_hint = false} : vector<512x256xf32>, vector<256x64xf32>, vector<512x64xf32> -> vector<512x64xf32>
    %get3A_53 = arith.constant 0 : index
    %get3A_54 = arith.constant 0 : index
    %get3A_55 = vector.load %arg11[%get3A_53, %get3A_54] : memref<1x64xf32, #tpu.memory_space<vmem>>, vector<1x64xf32>
    %add3A_56 = vector.broadcast %get3A_55 : vector<1x64xf32> to vector<512x64xf32>
    %add3A_57 = arith.addf %dot_general3A_52, %add3A_56 : vector<512x64xf32>
    %swap3A_58 = arith.constant 0 : index
    %swap3A_59 = arith.constant 0 : index
    %swap3A_60 = vector.load %arg13[%swap3A_58, %swap3A_59] : memref<512x64xf32, #tpu.memory_space<vmem>>, vector<512x64xf32>
    tpu.vector_store %arg13[%swap3A_58, %swap3A_59], %add3A_57 {strides = array<i32>} : memref<512x64xf32, #tpu.memory_space<vmem>>, vector<512x64xf32>,
    return
  }
  func.func @transform_0(%arg0: i32) -> (i32, i32) {
    %c0_i32 = arith.constant 0 : i32
    %c0_i32_0 = arith.constant 0 : i32
    return %arg0, %c0_i32 : i32, i32
  }
  func.func @transform_1(%arg0: i32) -> (i32, i32) {
    %c0_i32 = arith.constant 0 : i32
    %c0_i32_0 = arith.constant 0 : i32
    return %arg0, %c0_i32 : i32, i32
  }
  func.func @transform_2(%arg0: i32) -> (i32, i32) {
    %c0_i32 = arith.constant 0 : i32
    %c0_i32_0 = arith.constant 0 : i32
    return %arg0, %c0_i32 : i32, i32
  }
  func.func @transform_3(%arg0: i32) -> (i32, i32) {
    %c0_i32 = arith.constant 0 : i32
    %c0_i32_0 = arith.constant 0 : i32
    return %arg0, %c0_i32 : i32, i32
  }
  func.func @transform_4(%arg0: i32) -> (i32, i32) {
    %c0_i32 = arith.constant 0 : i32
    %c0_i32_0 = arith.constant 0 : i32
    return %arg0, %c0_i32 : i32, i32
  }
  func.func @transform_5(%arg0: i32) -> (i32, i32) {
    %c0_i32 = arith.constant 0 : i32
    %c0_i32_0 = arith.constant 0 : i32
    %c0_i32_1 = arith.constant 0 : i32
    return %c0_i32, %c0_i32_0 : i32, i32
  }
  func.func @transform_6(%arg0: i32) -> (i32, i32) {
    %c0_i32 = arith.constant 0 : i32
    %c0_i32_0 = arith.constant 0 : i32
    %c0_i32_1 = arith.constant 0 : i32
    return %c0_i32, %c0_i32_0 : i32, i32
  }
  func.func @transform_7(%arg0: i32) -> (i32, i32) {
    %c0_i32 = arith.constant 0 : i32
    %c0_i32_0 = arith.constant 0 : i32
    %c0_i32_1 = arith.constant 0 : i32
    return %c0_i32, %c0_i32_0 : i32, i32
  }
  func.func @transform_8(%arg0: i32) -> (i32, i32) {
    %c0_i32 = arith.constant 0 : i32
    %c0_i32_0 = arith.constant 0 : i32
    %c0_i32_1 = arith.constant 0 : i32
    return %c0_i32, %c0_i32_0 : i32, i32
  }
  func.func @transform_9(%arg0: i32) -> (i32, i32) {
    %c0_i32 = arith.constant 0 : i32
    %c0_i32_0 = arith.constant 0 : i32
    %c0_i32_1 = arith.constant 0 : i32
    return %c0_i32, %c0_i32_0 : i32, i32
  }
  func.func @transform_10(%arg0: i32) -> (i32, i32) {
    %c0_i32 = arith.constant 0 : i32
    %c0_i32_0 = arith.constant 0 : i32
    %c0_i32_1 = arith.constant 0 : i32
    return %c0_i32, %c0_i32_0 : i32, i32
  }
  func.func @transform_11(%arg0: i32) -> (i32, i32) {
    %c0_i32 = arith.constant 0 : i32
    %c0_i32_0 = arith.constant 0 : i32
    return %arg0, %c0_i32 : i32, i32
  }
  func.func @transform_12(%arg0: i32) -> (i32, i32) {
    %c0_i32 = arith.constant 0 : i32
    %c0_i32_0 = arith.constant 0 : i32
    return %arg0, %c0_i32 : i32, i32
  }
}

module attributes {stable_mosaic.version = 14 : i64} {
  func.func @_tc_b_body(%arg0: i32, %arg1: memref<512x128xf32, #tpu.memory_space<vmem>>, %arg2: memref<512x128xf32, #tpu.memory_space<vmem>>, %arg3: memref<512x1xf32, #tpu.memory_space<vmem>>, %arg4: memref<512x1xf32, #tpu.memory_space<vmem>>, %arg5: memref<512x64xf32, #tpu.memory_space<vmem>>, %arg6: memref<512x64xf32, #tpu.memory_space<vmem>>) attributes {dimension_semantics = [#tpu.dimension_semantics<arbitrary>], iteration_bounds = array<i64: 20>, scalar_prefetch = 0 : i64, scratch_operands = 0 : i64, tpu.core_type = #tpu.core_type<tc>, window_params = [{transform_indices = @transform_0, window_bounds = array<i64: 512, 128>}, {transform_indices = @transform_1, window_bounds = array<i64: 512, 128>}, {transform_indices = @transform_2, window_bounds = array<i64: 512, 1>}, {transform_indices = @transform_3, window_bounds = array<i64: 512, 1>}, {transform_indices = @transform_4, window_bounds = array<i64: 512, 64>}, {transform_indices = @transform_5, window_bounds = array<i64: 512, 64>}]} {
    %get3A = arith.constant 0 : index
    %get3A_0 = arith.constant 0 : index
    %get3A_1 = vector.load %arg3[%get3A, %get3A_0] : memref<512x1xf32, #tpu.memory_space<vmem>>, vector<512x1xf32>
    %get3A_2 = arith.constant 0 : index
    %get3A_3 = arith.constant 0 : index
    %get3A_4 = vector.load %arg4[%get3A_2, %get3A_3] : memref<512x1xf32, #tpu.memory_space<vmem>>, vector<512x1xf32>
    %add3A = arith.addf %get3A_1, %get3A_4 : vector<512x1xf32>
    %max3A = arith.constant 1.000000e+00 : f32
    %max3A_5 = vector.broadcast %max3A : f32 to vector<512x1xf32>
    %max3A_6 = arith.maximumf %add3A, %max3A_5 : vector<512x1xf32>
    %div3A = arith.constant 1.000000e+00 : f32
    %div3A_7 = vector.broadcast %div3A : f32 to vector<512x1xf32>
    %div3A_8 = arith.divf %div3A_7, %max3A_6 : vector<512x1xf32>
    %get3A_9 = arith.constant 0 : index
    %get3A_10 = arith.constant 0 : index
    %get3A_11 = vector.load %arg1[%get3A_9, %get3A_10] : memref<512x128xf32, #tpu.memory_space<vmem>>, vector<512x128xf32>
    %get3A_12 = arith.constant 0 : index
    %get3A_13 = arith.constant 0 : index
    %get3A_14 = vector.load %arg2[%get3A_12, %get3A_13] : memref<512x128xf32, #tpu.memory_space<vmem>>, vector<512x128xf32>
    %add3A_15 = arith.addf %get3A_11, %get3A_14 : vector<512x128xf32>
    %slice3A = vector.extract_strided_slice %add3A_15 {offsets = [0, 0], sizes = [512, 64], strides = [1, 1]} : vector<512x128xf32> to vector<512x64xf32>
    %mul3A = vector.broadcast %div3A_8 : vector<512x1xf32> to vector<512x64xf32>
    %mul3A_16 = arith.mulf %slice3A, %mul3A : vector<512x64xf32>
    %get3A_17 = arith.constant 0 : index
    %get3A_18 = arith.constant 0 : index
    %get3A_19 = vector.load %arg5[%get3A_17, %get3A_18] : memref<512x64xf32, #tpu.memory_space<vmem>>, vector<512x64xf32>
    %add3A_20 = arith.addf %mul3A_16, %get3A_19 : vector<512x64xf32>
    %swap3A = arith.constant 0 : index
    %swap3A_21 = arith.constant 0 : index
    %swap3A_22 = vector.load %arg6[%swap3A, %swap3A_21] : memref<512x64xf32, #tpu.memory_space<vmem>>, vector<512x64xf32>
    tpu.vector_store %arg6[%swap3A, %swap3A_21], %add3A_20 {strides = array<i32>} : memref<512x64xf32, #tpu.memory_space<vmem>>, vector<512x64xf32>,
    return
  }
  func.func @transform_0(%arg0: i32) -> (i32, i32) {
    %c0_i32 = arith.constant 0 : i32
    %c0_i32_0 = arith.constant 0 : i32
    return %arg0, %c0_i32 : i32, i32
  }
  func.func @transform_1(%arg0: i32) -> (i32, i32) {
    %c0_i32 = arith.constant 0 : i32
    %c0_i32_0 = arith.constant 0 : i32
    return %arg0, %c0_i32 : i32, i32
  }
  func.func @transform_2(%arg0: i32) -> (i32, i32) {
    %c0_i32 = arith.constant 0 : i32
    %c0_i32_0 = arith.constant 0 : i32
    return %arg0, %c0_i32 : i32, i32
  }
  func.func @transform_3(%arg0: i32) -> (i32, i32) {
    %c0_i32 = arith.constant 0 : i32
    %c0_i32_0 = arith.constant 0 : i32
    return %arg0, %c0_i32 : i32, i32
  }
  func.func @transform_4(%arg0: i32) -> (i32, i32) {
    %c0_i32 = arith.constant 0 : i32
    %c0_i32_0 = arith.constant 0 : i32
    return %arg0, %c0_i32 : i32, i32
  }
  func.func @transform_5(%arg0: i32) -> (i32, i32) {
    %c0_i32 = arith.constant 0 : i32
    %c0_i32_0 = arith.constant 0 : i32
    return %arg0, %c0_i32 : i32, i32
  }
}

</mosaic_0001>

<sc_bundles>
// kernel: kernel.6.cloned.1.call-start
scs
__scs_entry_jumppad:
0x0: {  	(pc) =	sbr.rel $0x88, $3  }
0x1: {  	(tag) =	ssettag $0x0;
	lr =	simm.s32 $0x1  }
0x2: {  	[smem:$0x3F9A] =	sst lr;
	_ =	strace $0xD0000000  }
0x3: {  	_ = 	snop  }
0x4: {  	_ = 	snop  }
0x5: {  	_ = 	snop  }
0x6: {  	_ = 	snop  }
0x7: {  	_ = 	snop  }
__scs_overlays_trampoline_lowered:
0x8: {  	[smem:$0x3FA9] =	sst s0  }
0x9: {  	[smem:$0x3FAA] =	sst s1  }
0xa: {  	[smem:$0x3FAB] =	sst s2  }
0xb: {  	[smem:$0x3FAC] =	sst s3  }
0xc: {  	[smem:$0x3FAD] =	sst s4  }
0xd: {  	[smem:$0x3FAE] =	sst s5  }
0xe: {  	[smem:$0x3FAF] =	sst s6  }
0xf: {  	[smem:$0x3FB0] =	sst s7  }
0x10: {  	[smem:$0x3FB1] =	sst s8  }
0x11: {  	[smem:$0x3FB2] =	sst s9;
	s0 =	simm.s32 @!p0 $0x0  }
0x12: {  	s1 =	sld [smem:$0x3F98];
	s0 =	simm.s32 @p0 $0x1  }
0x13: {  	[smem:$0x3FB3] =	sst s0;
	s0 =	simm.s32 @!p1 $0x0  }
0x14: {  	s2 =	sld [smem:$0x3F97];
	s0 =	simm.s32 @p1 $0x1  }
0x15: {  	[smem:$0x3FB4] =	sst s0;
	s0 =	simm.s32 @!p2 $0x0  }
0x16: {  	s3 =	sld [smem:$0x3FDB];
	s0 =	simm.s32 @p2 $0x1  }
0x17: {  	s4 =	simm.s32 $0x1BF5;
	[smem:$0x3FB6] =	sst s0  }
0x18: {  	s0 =	sld [smem:$0x3F99];
	_ =	swait.ge [sflag:s4], $0x0  }
0x19: {  	s7 =	sld [smem:$0x3F9A]  }
0x1a: {  	s8 =	sadd.s32 $0xFFFFE003, lr  }
0x1b: {  	s9 =	sadd.s32 $0xFFFFFEF7, lr;
	s5 =	simm.s32 $0xFFFFFFFF;
	p2 =	slt.u32 s8, $0xFFFFF086  }
0x1c: {  	p1 =	slt.u32 s9, $0xF7A;
	s5 =	simm.s32 @!p2 $0x0  }
0x1d: {  	s5 =	simm.s32 @p1 $0x1;
	p0 =	seq.s32 s7, s2  }
0x1e: {  	s7 =	smul.u32 @!p0 $0xF7A, s2;
	p2 =	seq.s32 @!p0 s5, $0x0  }
0x1f: {  	s9 =	smul.u32 $0xF7A, s1;
	s8 =	simm.s32 @!p0 $0x1BF5;
	p2 =	por !p2, p0  }
0x20: {  	[sflag:s8] =	ssyncset.s32 @!p0 $0xFFFFF086;
	s6 =	sadd.s32 @!p0 s3, s7;
	s7 =	simm.s32 @!p0 $0x108  }
0x21: {  	s3 =	sadd.s32 s3, s9;
	s6 =	sadd.s32 @!p0 $0x88, s6;
	s7 =	simm.s32 @p2 $0x1082  }
0x22: {  	[simem:s7], [sflag:s8] =	dma.local @!p0 [hbm:s6], $0xF7A  }
0x23: {  	s9 =	sor.u32 $0xD0000000, s2;
	s6 =	simm.s32 $0x108;
	_ =	swait.ge @!p0 [sflag:s8], $0x0  }
0x24: {  	s3 =	sadd.s32 $0x88, s3;
	s6 =	simm.s32 @!p1 $0x1082;
	[sflag:s4] =	ssyncset.s32 $0xFFFFF086  }
0x25: {  	[simem:s6], [sflag:s4] =	dma.local [hbm:s3], $0xF7A  }
0x26: {  	[smem:$0x3F9A] =	sst s1;
	(tag) =	ssettag s2;
	_ =	strace s9  }
0x27: {  	s1 =	sld [smem:$0x3FAA]  }
0x28: {  	s2 =	sld [smem:$0x3FAB]  }
0x29: {  	s4 =	sld [smem:$0x3FAD]  }
0x2a: {  	p0 =	seq.s32 s5, $0x0;
	s5 =	sld [smem:$0x3FAE]  }
0x2b: {  	s6 =	sld [smem:$0x3FAF]  }
0x2c: {  	s7 =	sld [smem:$0x3FB0]  }
0x2d: {  	s3 =	simm.s32 $0x108;
	s8 =	sld [smem:$0x3FB1]  }
0x2e: {  	s3 =	simm.s32 @!p0 $0x1082;
	s9 =	sld [smem:$0x3FB2]  }
0x2f: {  	lr =	sadd.s32 s0, s3;
	s0 =	sld [smem:$0x3FA9]  }
0x30: {  	s3 =	sld [smem:$0x3FAC]  }
0x31: {  	[smem:$0x3FB5] =	sst s10  }
0x32: {  	s10 =	sld [smem:$0x3FB3];
	_ =	sdelay $0x3  }
0x33: {  	p0 =	seq.s32 s10, $0x1;
	s10 =	sld [smem:$0x3FB5];
	_ =	sdelay $0x3  }
0x34: {  	[smem:$0x3FB5] =	sst s10  }
0x35: {  	s10 =	sld [smem:$0x3FB4];
	_ =	sdelay $0x3  }
0x36: {  	p1 =	seq.s32 s10, $0x1;
	s10 =	sld [smem:$0x3FB5];
	_ =	sdelay $0x3  }
0x37: {  	[smem:$0x3FB5] =	sst s10  }
0x38: {  	s10 =	sld [smem:$0x3FB6]  }
0x39: {  	_ = 	snop;
	(pc) =	sbr.ind lr, $3  }
0x3a: {  	_ = 	snop  }
0x3b: {  	_ = 	snop  }
0x3c: {  	p2 =	seq.s32 s10, $0x1;
	s10 =	sld [smem:$0x3FB5]  }
0x3d: {  	_ =	shalt  }
0x3e: {  	_ =	shalt  }
0x3f: {  	_ =	shalt  }
0x40: {  	_ =	shalt  }
0x41: {  	_ =	shalt  }
0x42: {  	_ =	shalt  }
0x43: {  	_ =	shalt  }
0x44: {  	_ =	shalt  }
0x45: {  	_ =	shalt  }
0x46: {  	_ =	shalt  }
0x47: {  	_ =	shalt  }
0x48: {  	_ =	shalt  }
0x49: {  	_ =	shalt  }
0x4a: {  	_ =	shalt  }
0x4b: {  	_ =	shalt  }
0x4c: {  	_ =	shalt  }
0x4d: {  	_ =	shalt  }
0x4e: {  	_ =	shalt  }
0x4f: {  	_ =	shalt  }
0x50: {  	_ =	shalt  }
0x51: {  	_ =	shalt  }
0x52: {  	_ =	shalt  }
0x53: {  	_ =	shalt  }
0x54: {  	_ =	shalt  }
0x55: {  	_ =	shalt  }
0x56: {  	_ =	shalt  }
0x57: {  	_ =	shalt  }
0x58: {  	_ =	shalt  }
0x59: {  	_ =	shalt  }
0x5a: {  	_ =	shalt  }
0x5b: {  	_ =	shalt  }
0x5c: {  	_ =	shalt  }
0x5d: {  	_ =	shalt  }
0x5e: {  	_ =	shalt  }
0x5f: {  	_ =	shalt  }
0x60: {  	_ =	shalt  }
0x61: {  	_ =	shalt  }
0x62: {  	_ =	shalt  }
0x63: {  	_ =	shalt  }
0x64: {  	_ =	shalt  }
0x65: {  	_ =	shalt  }
0x66: {  	_ =	shalt  }
0x67: {  	_ =	shalt  }
0x68: {  	_ =	shalt  }
0x69: {  	_ =	shalt  }
0x6a: {  	_ =	shalt  }
0x6b: {  	_ =	shalt  }
0x6c: {  	_ =	shalt  }
0x6d: {  	_ =	shalt  }
0x6e: {  	_ =	shalt  }
0x6f: {  	_ =	shalt  }
0x70: {  	_ =	shalt  }
0x71: {  	_ =	shalt  }
0x72: {  	_ =	shalt  }
0x73: {  	_ =	shalt  }
0x74: {  	_ =	shalt  }
0x75: {  	_ =	shalt  }
0x76: {  	_ =	shalt  }
0x77: {  	_ =	shalt  }
0x78: {  	_ =	shalt  }
0x79: {  	_ =	shalt  }
0x7a: {  	_ =	shalt  }
0x7b: {  	_ =	shalt  }
0x7c: {  	_ =	shalt  }
0x7d: {  	_ =	shalt  }
0x7e: {  	_ =	shalt  }
0x7f: {  	_ =	shalt  }
0x80: {  	_ =	shalt  }
0x81: {  	_ =	shalt  }
0x82: {  	_ =	shalt  }
0x83: {  	_ =	shalt  }
0x84: {  	_ =	shalt  }
0x85: {  	_ =	shalt  }
0x86: {  	_ =	shalt  }
0x87: {  	_ =	shalt  }
.Lfunc_end0:
.L_simem_size_0:
called_computation_lowered:
.L_overlay_start_0:
0x88: {  	s2 =	sld [smem:$0x3FD9]  }
0x89: {  	s3 =	sld [smem:$0x3FFE];
	_ =	sdelay $0x1  }
0x8a: {  	s1 =	srdreg.scid  }
0x8b: {  	s0 =	sand.u32 $0x1, s1  }
0x8c: {  	s17 =	sshll.u32 s0, $0xA;
	s2 =	sadd.s32 s3, s2  }
0x8d: {  	s2 =	sadd.s32 s2, s17  }
0x8e: {  	[smem:$0x3FC1] =	sst s2  }
0x8f: {  	_ = 	snop  }
0x90: {  	s2 =	sld [smem:$0x3FD0];
	(tm) =	ssettm $0x1  }
0x91: {  	s18 =	sld [smem:$0x3FFB];
	_ =	sdelay $0x3  }
0x92: {  	_ =	strace s18  }
0x93: {  	s3 =	sld [smem:$0x3FFC];
	_ =	sdelay $0x3  }
0x94: {  	_ =	strace s3  }
0x95: {  	s3 =	sld [smem:$0x3FFD];
	_ =	sdelay $0x3  }
0x96: {  	_ =	strace s3  }
0x97: {  	_ =	strace $0x8FFFFFFF  }
0x98: {  	s19 =	sld [smem:$0x3FDB];
	_ =	sdelay $0x1  }
0x99: {  	s4 =	simm.s32 $_scs_section_size  }
0x9a: {  	s5 =	simm.s32 $_size__tile_overlayer_lowered;
	s6 =	simm.s32 $_tile_overlayer_lowered  }
0x9b: {  	s22 =	simm.s32 $0x1BFF;
	s21 =	sshll.u32 s6, $0x1;
	s3 =	sadd.s32 s4, s19  }
0x9c: {  	s7 =	simm.s32 $0x0;
	s20 =	sshll.u32 s5, $0x1;
	s5 =	sadd.s32 s21, s3  }
0x9d: {  	[timem:s7], [sflag:s22] =	dma.local [hbm:s5], s20  }
0x9e: {  	_ =	swait.ge [sflag:s22], s20  }
0x9f: {  	s4 =	ssub.s32 $0x0, s20;
	[sflag:s22] =	ssyncset.done $0x0  }
0xa0: {  	[sflag:s22] =	ssyncadd.s32 s4;
	_ =	sdelay $0x1  }
0xa1: {  	s23 =	simm.s32 $0x1B8B  }
0xa2: {  	_ =	swait.ge [sflag:s23], $0x1  }
0xa3: {  	[sflag:s23] =	ssyncset.done $0x0  }
0xa4: {  	s25 =	simm.s32 $0x1B8E;
	s24 =	sld [smem:$0x3FFE];
	[sflag:s23] =	ssyncadd.s32 $0xFFFFFFFF  }
0xa5: {  	s26 =	simm.s32 $execute0_lowered;
	[smem:$0x3FD2] =	sst s25  }
0xa6: {  	s5 =	sshll.u32 s26, $0x1;
	_ =	strace $0x80000046;
	[dreg:$0x1] =	wrdreg $0xFFFFFFFF  }
0xa7: {  	s28 =	simm.s32 $_size_execute0_lowered;
	s3 =	sadd.s32 s3, s5;
	[dreg:$0x0] =	wrdreg $0x0  }
0xa8: {  	s5 =	sshll.u32 s28, $0x1;
	[dreg:$0x2] =	wrdreg s3  }
0xa9: {  	[dreg:$0x3] =	wrdreg s5  }
0xaa: {  	[dreg:$0x4] =	wrdreg $0xC0  }
0xab: {  	_ =	task [dreg:s7], $0x5FFFF  }
0xac: {  	[dreg:$0x1] =	wrdreg $0xFFFFFFFF  }
0xad: {  	[dreg:$0x0] =	wrdreg $0x60  }
0xae: {  	[dreg:$0x2] =	wrdreg s2  }
0xaf: {  	[dreg:$0x3] =	wrdreg s24  }
0xb0: {  	[dreg:$0x4] =	wrdreg $0xAA000  }
0xb1: {  	[dreg:$0x5] =	wrdreg $0x1EB000  }
0xb2: {  	[dreg:$0x6] =	wrdreg $0x9  }
0xb3: {  	_ =	task.clear_ibuf [dreg:s7], $0x7FFFF;
	_ =	strace $0x90000046  }
0xb4: {  	s29 =	simm.s32 $0x9;
	_ =	strace $0x80000048  }
0xb5: {  	_ =	swait.ge [sflag:s29], $0x1  }
0xb6: {  	[sflag:s29] =	ssyncadd.s32 $0xFFFFFFFF  }
0xb7: {  	_ =	strace $0x90000048  }
0xb8: {  	_ =	sfence  }
0xb9: {  	s30 =	sld [smem:$0x0];
	_ =	sdelay $0x2  }
0xba: {  	s31 =	sshll.u32 s1, $0xD;
	s1 =	sshrl.u32 s1, $0x2  }
0xbb: {  	s3 =	sand.u32 $0x4000, s31;
	s1 =	sadd.s32 s1, s30  }
0xbc: {  	s0 =	sor.u32 s3, s0;
	s1 =	sshll.u32 s1, $0x11  }
0xbd: {  	s0 =	sor.u32 s1, s0  }
0xbe: {  	s0 =	sadd.s32 $0x8F2B, s0  }
0xbf: {  	[sflag:s0] =	ssyncadd.remote.s32 $0x1  }
0xc0: {  	_ =	sfence.sel $0xFFFF  }
0xc1: {  	[dreg:$0x0] =	wrdreg $0xFFFFFFFF;
	(pc) =	sbr.abs _section_cstart, $3  }
0xc2: {  	[dreg:$0x1] =	wrdreg $0xFFFFFFFF  }
0xc3: {  	_ =	task.clear_ibuf [dreg:s7], $0x2FFFF;
	_ =	strace $0x9FFFFFFF  }
0xc4: {  	(tm) =	ssettm $0x7FFFFFFF  }
0xc5: {  	_ =	shalt  }
tec
execute0_lowered:
.L_overlay_start_1:
0x0: {  	(tag) =	ssettag $0x1  }
0x1: {  	s0 =	rddreg [dreg:$0x0]  }
0x2: {  	s3 =	rddreg [dreg:$0x1]  }
0x3: {  	s1 =	rddreg [dreg:$0x2]  }
0x4: {  	s2 =	rddreg [dreg:$0x3]  }
0x5: {  	s4 =	simm.s32 $0x0;
	s7 =	srdreg.scid;
	s13 =	stileid.u32  }
0x6: {  	s28 =	simm.s32 $0x1;
	s29 =	simm.s32 $0xA900;
	s30 =	simm.s32 $0x2  }
0x7: {  	s31 =	simm.s32 $0xA980;
	[smem:$0x7FF] =	sst s4;
	s4 =	sadd.s32 $0x29A00, s3  }
0x8: {  	s5 =	sadd.s32 $0x2800, s3;
	s6 =	sadd.s32 $0x51800, s3;
	s21 =	smul.u32 $0x500, s13  }
0x9: {  	s18 =	sadd.s32 $0x79800, s3;
	s9 =	sand.u32 $0x1, s7;
	s10 =	smul.u32 $0x50000, s13  }
0xa: {  	s19 =	sadd.s32 $0x50C00, s3;
	s3 =	sadd.s32 $0x51200, s3;
	s12 =	smul.u32 $0x280, s13  }
0xb: {  	s23 =	smul.u32 $0x2800, s13;
	_ =	strace $0x80000047;
	s8 =	ssub.s32 $0x2, s9  }
0xc: {  	p0 =	seq.s32 s9, $0x0;
	s11 =	sshrl.u32 s8, $0x1;
	s0 =	sadd.s32 s0, s21  }
0xd: {  	s22 =	sshrl.u32 s10, $0x2;
	s20 =	sshrl.u32 s12, $0x3;
	s18 =	smov.u32 @p0 s6  }
0xe: {  	s5 =	smov.u32 @p0 s4;
	s3 =	smov.u32 @p0 s19;
	s21 =	simm.s32 $0x2800  }
0xf: {  	s11 =	ssub.s32 s8, s11;
	[dreg:$0x5] =	wrdreg s0;
	s7 =	sadd.s32 s22, s1  }
0x10: {  	s8 =	sadd.s32 s12, s2;
	s18 =	sadd.s32 s18, s23;
	s19 =	sadd.s32 s3, s20  }
0x11: {  	s20 =	simm.s32 $0x5;
	s22 =	simm.s32 $0x1EA80;
	s23 =	simm.s32 $0x80  }
0x12: {  	s0 =	simm.s32 $0x3;
	s3 =	simm.s32 $0x4;
	s24 =	smax.u32 s11, $0x1  }
.Ltmp0:
0x13: {  	s25 =	sadd.s32 $0x4000, s7;
	s26 =	sadd.s32 $0x8000, s7;
	(pc) =	sbr.rel .LBB2_1-.Ltmp0, $4  }
0x14: {  	s12 =	sadd.s32 $0xC000, s7;
	s13 =	sadd.s32 $0x10000, s7;
	[dreg:$0x6] =	wrdreg s24  }
0x15: {  	s14 =	sadd.s32 $0x80, s8;
	s15 =	sadd.s32 $0x100, s8;
	[dreg:$0x7] =	wrdreg s25  }
0x16: {  	s16 =	sadd.s32 $0x180, s8;
	s17 =	sadd.s32 $0x200, s8;
	[dreg:$0x8] =	wrdreg s26  }
0x17: {  	v0 =	vimm.f32 $0.0e+00;
	v1 =	vimm.f32 $1.000000000e+00;
	s25 =	simm.s32 $0xA880;
	s26 =	simm.s32 $0x6800;
	s24 =	simm.s32 $0x0  }
.LBB2_6:
0x18: {  	_ =	swait.ge [sflag:s0], $0x4000  }
0x19: {  	[sflag:s0] =	ssyncset.done $0x0  }
0x1a: {  	[sflag:s0] =	ssyncadd.s32 $0xFFFFC000  }
0x1b: {  	_ =	swait.ge [sflag:s3], $0x4000  }
0x1c: {  	s4 =	stileid.u32;
	[sflag:s3] =	ssyncset.done $0x0  }
0x1d: {  	s4 =	sshll.u32 s4, $0x6;
	[sflag:s3] =	ssyncadd.s32 $0xFFFFC000  }
0x1e: {  	s6 =	sshrl.u32 s7, $0x3;
	s4 =	sor.u32 $0x1C05, s4;
	[bflag:$0x0] =	sbarrier.arrive $0xFFFF  }
0x1f: {  	[hbm:s18], [sflag:s4] =	dma.local [spmem:s6], $0x2800  }
0x20: {  	_ =	swait.ge [sflag:s20], $0x2800  }
0x21: {  	[sflag:s20] =	ssyncset.done $0x0  }
0x22: {  	s10 =	sshrl.u32 s8, $0x3;
	[sflag:s20] =	ssyncadd.s32 $0xFFFFD800  }
0x23: {  	[hbm:s19], [sflag:s4] =	dma.local [spmem:s10], $0x50  }
0x24: {  	_ =	swait.ge [sflag:s20], $0x50  }
0x25: {  	s24 =	sadd.s32 $0x1, s24;
	s11 =	rddreg [dreg:$0x6]  }
0x26: {  	p1 =	sne.s32 s24, s11  }
.Ltmp1:
0x27: {  	_ = 	snop;
	(pc) =	sbr.rel @!p1 .LBB2_7-.Ltmp1, $3  }
0x28: {  	_ =	sdelay $0x1  }
0x29: {  	[sflag:s20] =	ssyncset.done $0x0  }
0x2a: {  	[sflag:s20] =	ssyncadd.s32 $0xFFFFFFB0  }
.LBB2_1:
0x2b: {  	s4 =	simm.s32 $0x0;
	s6 =	rddreg [dreg:$0x5]  }
0x2c: {  	[tilespmem:s4], [sflag:$0x5] =	stream.linear.gather [hbm4b:s6+s4], $0x2800, $0x38;
	[tilespmem:$0x1ED80] =	vst v63  }
0x2d: {  	_ =	swait.ge [sflag:s20], $0x2800  }
0x2e: {  	[sflag:s20] =	ssyncset.done $0x0  }
0x2f: {  	s4 =	simm.s32 $0x0;
	s6 =	simm.s32 $0x200;
	[sflag:s20] =	ssyncadd.s32 $0xFFFFD800  }
.LBB2_2:
0x30: {  	p1 =	sne.s32 s6, $0xFE00;
	[tilespmem:s4+$0x2870] =	vst v0  }
0x31: {  	[tilespmem:s4+$0x2800] =	vst v0  }
0x32: {  	[tilespmem:s4+$0x2810] =	vst v0  }
.Ltmp2:
0x33: {  	[tilespmem:s4+$0x2820] =	vst v0;
	(pc) =	sbr.rel @p1 .LBB2_2-.Ltmp2, $4  }
0x34: {  	[tilespmem:s4+$0x2830] =	vst v0  }
0x35: {  	[tilespmem:s4+$0x2840] =	vst v0  }
0x36: {  	[tilespmem:s4+$0x2850] =	vst v0  }
0x37: {  	[tilespmem:s4+$0x2860] =	vst v0;
	s4 =	sshra.s32 s6, $0x2;
	s6 =	sadd.s32 $0x200, s6  }
0x38: {  	[tilespmem:s4+$0x2870] =	vst v0  }
0x39: {  	[tilespmem:s4+$0x2800] =	vst v0  }
0x3a: {  	[tilespmem:s4+$0x2810] =	vst v0  }
0x3b: {  	[tilespmem:s4+$0x2820] =	vst v0  }
0x3c: {  	[tilespmem:s4+$0x2830] =	vst v0  }
0x3d: {  	[tilespmem:s4+$0x2840] =	vst v0  }
0x3e: {  	[tilespmem:s4+$0x2850] =	vst v0  }
0x3f: {  	[tilespmem:s4+$0x2860] =	vst v0  }
0x40: {  	[spmem:s7] =	stream.linear.scatter [tilespmem:s21], [sflag:$0x5], $0x4000, $0x38;
	[tilespmem:$0x1ED80] =	vst v63  }
0x41: {  	_ =	swait.ge [sflag:s20], $0x4000  }
0x42: {  	[sflag:s20] =	ssyncset.done $0x0  }
0x43: {  	s9 =	rddreg [dreg:$0x7];
	[sflag:s20] =	ssyncadd.s32 $0xFFFFC000  }
0x44: {  	[spmem:s9] =	stream.linear.scatter [tilespmem:s21], [sflag:$0x5], $0x4000, $0x38;
	[tilespmem:$0x1ED80] =	vst v63  }
0x45: {  	_ =	swait.ge [sflag:s20], $0x4000  }
0x46: {  	[sflag:s20] =	ssyncset.done $0x0  }
0x47: {  	s10 =	rddreg [dreg:$0x8];
	[sflag:s20] =	ssyncadd.s32 $0xFFFFC000  }
0x48: {  	[spmem:s10] =	stream.linear.scatter [tilespmem:s21], [sflag:$0x5], $0x4000, $0x38;
	[tilespmem:$0x1ED80] =	vst v63  }
0x49: {  	_ =	swait.ge [sflag:s20], $0x4000  }
0x4a: {  	[sflag:s20] =	ssyncset.done $0x0  }
0x4b: {  	[sflag:s20] =	ssyncadd.s32 $0xFFFFC000  }
0x4c: {  	[spmem:s12] =	stream.linear.scatter [tilespmem:s21], [sflag:$0x5], $0x4000, $0x38;
	[tilespmem:$0x1ED80] =	vst v63  }
0x4d: {  	_ =	swait.ge [sflag:s20], $0x4000  }
0x4e: {  	[sflag:s20] =	ssyncset.done $0x0  }
0x4f: {  	[sflag:s20] =	ssyncadd.s32 $0xFFFFC000  }
0x50: {  	[spmem:s13] =	stream.linear.scatter [tilespmem:s21], [sflag:$0x5], $0x4000, $0x38;
	[tilespmem:$0x1ED80] =	vst v63  }
0x51: {  	_ =	swait.ge [sflag:s20], $0x4000  }
0x52: {  	[sflag:s20] =	ssyncset.done $0x0  }
0x53: {  	[sflag:s20] =	ssyncadd.s32 $0xFFFFC000  }
0x54: {  	[tilespmem:$0x1EA80] =	vst v0  }
0x55: {  	[tilespmem:$0x1EA90] =	vst v0  }
0x56: {  	[tilespmem:$0x1EAA0] =	vst v0  }
0x57: {  	[tilespmem:$0x1EAB0] =	vst v0  }
0x58: {  	[tilespmem:$0x1EAC0] =	vst v0  }
0x59: {  	[tilespmem:$0x1EAD0] =	vst v0  }
0x5a: {  	[tilespmem:$0x1EAE0] =	vst v0  }
0x5b: {  	[tilespmem:$0x1EAF0] =	vst v0  }
0x5c: {  	[tilespmem:$0x1EA00] =	vst v1  }
0x5d: {  	[tilespmem:$0x1EA10] =	vst v1  }
0x5e: {  	[tilespmem:$0x1EA20] =	vst v1  }
0x5f: {  	[tilespmem:$0x1EA30] =	vst v1  }
0x60: {  	[tilespmem:$0x1EA40] =	vst v1  }
0x61: {  	[tilespmem:$0x1EA50] =	vst v1  }
0x62: {  	[tilespmem:$0x1EA60] =	vst v1  }
0x63: {  	[tilespmem:$0x1EA70] =	vst v1  }
0x64: {  	[spmem:s8] =	stream.linear.scatter [tilespmem:s22], [sflag:$0x5], $0x80, $0x38;
	[tilespmem:$0x1ED80] =	vst v63  }
0x65: {  	_ =	swait.ge [sflag:s20], $0x80  }
0x66: {  	[sflag:s20] =	ssyncset.done $0x0  }
0x67: {  	[sflag:s20] =	ssyncadd.s32 $0xFFFFFF80  }
0x68: {  	[spmem:s14] =	stream.linear.scatter [tilespmem:s22], [sflag:$0x5], $0x80, $0x38;
	[tilespmem:$0x1ED80] =	vst v63  }
0x69: {  	_ =	swait.ge [sflag:s20], $0x80  }
0x6a: {  	[sflag:s20] =	ssyncset.done $0x0  }
0x6b: {  	[sflag:s20] =	ssyncadd.s32 $0xFFFFFF80  }
0x6c: {  	[spmem:s15] =	stream.linear.scatter [tilespmem:s22], [sflag:$0x5], $0x80, $0x38;
	[tilespmem:$0x1ED80] =	vst v63  }
0x6d: {  	_ =	swait.ge [sflag:s20], $0x80  }
0x6e: {  	[sflag:s20] =	ssyncset.done $0x0  }
0x6f: {  	[sflag:s20] =	ssyncadd.s32 $0xFFFFFF80  }
0x70: {  	[spmem:s16] =	stream.linear.scatter [tilespmem:s22], [sflag:$0x5], $0x80, $0x38;
	[tilespmem:$0x1ED80] =	vst v63  }
0x71: {  	_ =	swait.ge [sflag:s20], $0x80  }
0x72: {  	[sflag:s20] =	ssyncset.done $0x0  }
0x73: {  	[sflag:s20] =	ssyncadd.s32 $0xFFFFFF80  }
0x74: {  	[spmem:s17] =	stream.linear.scatter [tilespmem:s22], [sflag:$0x5], $0x80, $0x38;
	[tilespmem:$0x1ED80] =	vst v63  }
0x75: {  	_ =	swait.ge [sflag:s20], $0x80  }
0x76: {  	[sflag:s20] =	ssyncset.done $0x0  }
0x77: {  	[sflag:s20] =	ssyncadd.s32 $0xFFFFFF80  }
0x78: {  	v2 =	vld [tilespmem:$0x0];
	_ =	sdelay $0x1  }
0x79: {  	v3 =	vld [tilespmem:$0x10];
	_ =	sdelay $0x1  }
0x7a: {  	v4 =	vld [tilespmem:$0x20]  }
0x7b: {  	v5 =	vand.u32 $0xFFFF, v2  }
0x7c: {  	v56 =	vld [tilespmem:$0x30];
	v2 =	vshrl.u32 v2, $0x10;
	[tilespmem:$0xA800] =	vst v5  }
0x7d: {  	[tilespmem:$0xA900] =	vst v2;
	v2 =	vand.u32 $0xFFFF, v3  }
0x7e: {  	[tilespmem:$0xA810] =	vst v2;
	v2 =	vshrl.u32 v3, $0x10;
	v3 =	vld [tilespmem:$0x40]  }
0x7f: {  	[tilespmem:$0xA910] =	vst v2;
	v2 =	vand.u32 $0xFFFF, v4  }
0x80: {  	v57 =	vld [tilespmem:$0x50];
	[tilespmem:$0xA820] =	vst v2;
	v2 =	vshrl.u32 v4, $0x10  }
0x81: {  	[tilespmem:$0xA920] =	vst v2;
	v2 =	vand.u32 $0xFFFF, v56  }
0x82: {  	v58 =	vld [tilespmem:$0x60];
	[tilespmem:$0xA830] =	vst v2;
	v2 =	vshrl.u32 v56, $0x10  }
0x83: {  	[tilespmem:$0xA930] =	vst v2;
	v2 =	vand.u32 $0xFFFF, v3  }
0x84: {  	[tilespmem:$0xA840] =	vst v2;
	v2 =	vshrl.u32 v3, $0x10;
	v3 =	vld [tilespmem:$0x70]  }
0x85: {  	[tilespmem:$0xA940] =	vst v2;
	v2 =	vand.u32 $0xFFFF, v57  }
0x86: {  	[tilespmem:$0xA850] =	vst v2;
	v2 =	vshrl.u32 v57, $0x10  }
0x87: {  	[tilespmem:$0xA950] =	vst v2;
	v2 =	vand.u32 $0xFFFF, v58  }
0x88: {  	[tilespmem:$0xA860] =	vst v2;
	v2 =	vshrl.u32 v58, $0x10  }
0x89: {  	[tilespmem:$0xA960] =	vst v2;
	v2 =	vand.u32 $0xFFFF, v3  }
0x8a: {  	[tilespmem:$0xA870] =	vst v2;
	v2 =	vshrl.u32 v3, $0x10  }
0x8b: {  	s11 =	simm.s32 $0xA800;
	[tilespmem:$0xA970] =	vst v2  }
0x8c: {  	[tilespmem:s21], [sflag:$0x1] =	stream.indirect.gather [hbm4b:s5+s23], $0x80, s11, s23, $0xb8;
	[tilespmem:$0x1ED80] =	vst v63  }
0x8d: {  	v2 =	vld [tilespmem:$0x80];
	_ =	sdelay $0x1  }
0x8e: {  	v3 =	vld [tilespmem:$0x90];
	_ =	sdelay $0x1  }
0x8f: {  	v59 =	vld [tilespmem:$0xA0]  }
0x90: {  	v60 =	vand.u32 $0xFFFF, v2  }
0x91: {  	v61 =	vld [tilespmem:$0xB0];
	v2 =	vshrl.u32 v2, $0x10;
	[tilespmem:$0xA880] =	vst v60  }
0x92: {  	[tilespmem:$0xA980] =	vst v2;
	v2 =	vand.u32 $0xFFFF, v3  }
0x93: {  	[tilespmem:$0xA890] =	vst v2;
	v2 =	vshrl.u32 v3, $0x10;
	v3 =	vld [tilespmem:$0xC0]  }
0x94: {  	[tilespmem:$0xA990] =	vst v2;
	v2 =	vand.u32 $0xFFFF, v59  }
0x95: {  	v62 =	vld [tilespmem:$0xD0];
	[tilespmem:$0xA8A0] =	vst v2;
	v2 =	vshrl.u32 v59, $0x10  }
0x96: {  	[tilespmem:$0xA9A0] =	vst v2;
	v2 =	vand.u32 $0xFFFF, v61  }
0x97: {  	v63 =	vld [tilespmem:$0xE0];
	[tilespmem:$0xA8B0] =	vst v2;
	v2 =	vshrl.u32 v61, $0x10  }
0x98: {  	[tilespmem:$0xA9B0] =	vst v2;
	v2 =	vand.u32 $0xFFFF, v3  }
0x99: {  	[tilespmem:$0xA8C0] =	vst v2;
	v2 =	vshrl.u32 v3, $0x10;
	v3 =	vld [tilespmem:$0xF0]  }
0x9a: {  	[tilespmem:$0xA9C0] =	vst v2;
	v2 =	vand.u32 $0xFFFF, v62  }
0x9b: {  	[tilespmem:$0xA8D0] =	vst v2;
	v2 =	vshrl.u32 v62, $0x10  }
0x9c: {  	[tilespmem:$0xA9D0] =	vst v2;
	v2 =	vand.u32 $0xFFFF, v63  }
0x9d: {  	[tilespmem:$0xA8E0] =	vst v2;
	v2 =	vshrl.u32 v63, $0x10  }
0x9e: {  	[tilespmem:$0xA9E0] =	vst v2;
	v2 =	vand.u32 $0xFFFF, v3  }
0x9f: {  	[tilespmem:$0xA8F0] =	vst v2;
	v2 =	vshrl.u32 v3, $0x10  }
0xa0: {  	[tilespmem:$0xA9F0] =	vst v2  }
0xa1: {  	[tilespmem:s26], [sflag:$0x2] =	stream.indirect.gather [hbm4b:s5+s23], $0x80, s25, s23, $0xb8;
	[tilespmem:$0x1ED80] =	vst v63  }
0xa2: {  	s4 =	simm.s32 $0x0;
	s6 =	simm.s32 $0x1F0;
	[bflag:$0x0] =	sbarrier.arrive $0xFFFF  }
.LBB2_4:
0xa3: {  	_ =	swait.ge [sflag:s28], $0x4000  }
0xa4: {  	p1 =	sgt.u32 s4, $0x13;
	s9 =	simm.s32 $0x1;
	s10 =	simm.s32 $0x1  }
0xa5: {  	[sflag:s28] =	ssyncset.done $0x0;
	s9 =	simm.s32 @!p1 $0x0;
	s10 =	simm.s32 @!p0 $0x0  }
0xa6: {  	[sflag:s28] =	ssyncadd.s32 $0xFFFFC000;
	p3 =	seq.s32 s10, s9  }
0xa7: {  	[spmem:s1] =	stream.indirect.scatter.add.f32 [tilespmem:s21], [sflag:$0x3], $0x80, s29, s23, $0xb8;
	[tilespmem:$0x1ED80] =	vst v63  }
0xa8: {  	s9 =	simm.s32 @!p3 $0x80;
	s10 =	simm.s32 @!p3 $0xA900;
	s11 =	simm.s32 @!p3 $0x1EA00  }
0xa9: {  	[spmem:s2] =	stream.indirect.scatter.add.f32 @!p3 [tilespmem:s11], [sflag:$0x5], $0x1, s10, s9, $0xb8;
	[tilespmem:$0x1ED80] =	vst v63  }
0xaa: {  	s9 =	simm.s32 @!p3 $0x5  }
0xab: {  	_ =	swait.ge @!p3 [sflag:s9], $0x80  }
0xac: {  	p2 =	seq.s32 s4, $0x27;
	[sflag:s9] =	ssyncset.done @!p3 $0x0  }
0xad: {  	[sflag:s9] =	ssyncadd.s32 @!p3 $0xFFFFFF80;
	s9 =	simm.s32 @!p2 $0x3  }
0xae: {  	_ =	swait.ge @!p2 [sflag:s9], $0x4000  }
0xaf: {  	[sflag:s9] =	ssyncset.done @!p2 $0x0  }
0xb0: {  	[sflag:s9] =	ssyncadd.s32 @!p2 $0xFFFFC000  }
0xb1: {  	v2 =	vld @!p2 [tilespmem:s6+$0xFFFFFF10];
	_ =	sdelay $0x4  }
0xb2: {  	v3 =	vand.u32 @!p2 $0xFFFF, v2  }
0xb3: {  	v2 =	vshrl.u32 @!p2 v2, $0x10;
	[tilespmem:$0xA800] =	vst @!p2 v3  }
0xb4: {  	[tilespmem:$0xA900] =	vst @!p2 v2  }
0xb5: {  	v2 =	vld @!p2 [tilespmem:s6+$0xFFFFFF20];
	_ =	sdelay $0x4  }
0xb6: {  	v3 =	vand.u32 @!p2 $0xFFFF, v2  }
0xb7: {  	v2 =	vshrl.u32 @!p2 v2, $0x10;
	[tilespmem:$0xA810] =	vst @!p2 v3  }
0xb8: {  	[tilespmem:$0xA910] =	vst @!p2 v2  }
0xb9: {  	v2 =	vld @!p2 [tilespmem:s6+$0xFFFFFF30];
	_ =	sdelay $0x4  }
0xba: {  	v3 =	vand.u32 @!p2 $0xFFFF, v2  }
0xbb: {  	v2 =	vshrl.u32 @!p2 v2, $0x10;
	[tilespmem:$0xA820] =	vst @!p2 v3  }
0xbc: {  	[tilespmem:$0xA920] =	vst @!p2 v2  }
0xbd: {  	v2 =	vld @!p2 [tilespmem:s6+$0xFFFFFF40];
	_ =	sdelay $0x4  }
0xbe: {  	v3 =	vand.u32 @!p2 $0xFFFF, v2  }
0xbf: {  	v2 =	vshrl.u32 @!p2 v2, $0x10;
	[tilespmem:$0xA830] =	vst @!p2 v3  }
0xc0: {  	[tilespmem:$0xA930] =	vst @!p2 v2  }
0xc1: {  	v2 =	vld @!p2 [tilespmem:s6+$0xFFFFFF50];
	_ =	sdelay $0x4  }
0xc2: {  	v3 =	vand.u32 @!p2 $0xFFFF, v2  }
0xc3: {  	v2 =	vshrl.u32 @!p2 v2, $0x10;
	[tilespmem:$0xA840] =	vst @!p2 v3  }
0xc4: {  	[tilespmem:$0xA940] =	vst @!p2 v2  }
0xc5: {  	v2 =	vld @!p2 [tilespmem:s6+$0xFFFFFF60];
	_ =	sdelay $0x4  }
0xc6: {  	v3 =	vand.u32 @!p2 $0xFFFF, v2  }
0xc7: {  	v2 =	vshrl.u32 @!p2 v2, $0x10;
	[tilespmem:$0xA850] =	vst @!p2 v3  }
0xc8: {  	[tilespmem:$0xA950] =	vst @!p2 v2  }
0xc9: {  	v2 =	vld @!p2 [tilespmem:s6+$0xFFFFFF70];
	_ =	sdelay $0x4  }
0xca: {  	v3 =	vand.u32 @!p2 $0xFFFF, v2  }
0xcb: {  	v2 =	vshrl.u32 @!p2 v2, $0x10;
	[tilespmem:$0xA860] =	vst @!p2 v3  }
0xcc: {  	[tilespmem:$0xA960] =	vst @!p2 v2  }
0xcd: {  	v2 =	vld @!p2 [tilespmem:s6+$0xFFFFFF80];
	_ =	sdelay $0x4  }
0xce: {  	v3 =	vand.u32 @!p2 $0xFFFF, v2  }
0xcf: {  	v2 =	vshrl.u32 @!p2 v2, $0x10;
	[tilespmem:$0xA870] =	vst @!p2 v3  }
0xd0: {  	s10 =	simm.s32 @!p2 $0xA800;
	s11 =	simm.s32 @!p2 $0x2800;
	s9 =	simm.s32 @!p2 $0x80;
	[tilespmem:$0xA970] =	vst @!p2 v2  }
0xd1: {  	[tilespmem:s11], [sflag:$0x1] =	stream.indirect.gather @!p2 [hbm4b:s5+s9], $0x80, s10, s9, $0xb8;
	[tilespmem:$0x1ED80] =	vst v63  }
0xd2: {  	_ =	swait.ge [sflag:s30], $0x4000  }
0xd3: {  	p3 =	por !p1, !p1;
	[sflag:s30] =	ssyncset.done $0x0  }
0xd4: {  	p3 =	por @!p0 p1, p1;
	[sflag:s30] =	ssyncadd.s32 $0xFFFFC000  }
0xd5: {  	[spmem:s1] =	stream.indirect.scatter.add.f32 [tilespmem:s26], [sflag:$0x4], $0x80, s31, s23, $0xb8;
	[tilespmem:$0x1ED80] =	vst v63  }
0xd6: {  	s9 =	simm.s32 @p3 $0x80;
	s10 =	simm.s32 @p3 $0xA980;
	s11 =	simm.s32 @p3 $0x1EA00  }
0xd7: {  	[spmem:s2] =	stream.indirect.scatter.add.f32 @p3 [tilespmem:s11], [sflag:$0x5], $0x1, s10, s9, $0xb8;
	[tilespmem:$0x1ED80] =	vst v63  }
.Ltmp3:
0xd8: {  	_ = 	snop;
	(pc) =	sbr.rel @p2 .LBB2_6-.Ltmp3, $4  }
0xd9: {  	s9 =	simm.s32 @p3 $0x5  }
0xda: {  	_ =	swait.ge @p3 [sflag:s9], $0x80  }
0xdb: {  	[sflag:s9] =	ssyncset.done @p3 $0x0  }
0xdc: {  	[sflag:s9] =	ssyncadd.s32 @p3 $0xFFFFFF80  }
0xdd: {  	_ =	swait.ge [sflag:s3], $0x4000  }
0xde: {  	[sflag:s3] =	ssyncset.done $0x0  }
0xdf: {  	[sflag:s3] =	ssyncadd.s32 $0xFFFFC000  }
0xe0: {  	v2 =	vld [tilespmem:s6+$0xFFFFFF90];
	_ =	sdelay $0x4  }
0xe1: {  	v3 =	vand.u32 $0xFFFF, v2  }
0xe2: {  	v2 =	vshrl.u32 v2, $0x10;
	[tilespmem:$0xA880] =	vst v3  }
0xe3: {  	[tilespmem:$0xA980] =	vst v2  }
0xe4: {  	v2 =	vld [tilespmem:s6+$0xFFFFFFA0];
	_ =	sdelay $0x4  }
0xe5: {  	v3 =	vand.u32 $0xFFFF, v2  }
0xe6: {  	v2 =	vshrl.u32 v2, $0x10;
	[tilespmem:$0xA890] =	vst v3  }
0xe7: {  	[tilespmem:$0xA990] =	vst v2  }
0xe8: {  	v2 =	vld [tilespmem:s6+$0xFFFFFFB0];
	_ =	sdelay $0x4  }
0xe9: {  	v3 =	vand.u32 $0xFFFF, v2  }
0xea: {  	v2 =	vshrl.u32 v2, $0x10;
	[tilespmem:$0xA8A0] =	vst v3  }
0xeb: {  	[tilespmem:$0xA9A0] =	vst v2  }
0xec: {  	v2 =	vld [tilespmem:s6+$0xFFFFFFC0];
	_ =	sdelay $0x4  }
0xed: {  	v3 =	vand.u32 $0xFFFF, v2  }
0xee: {  	v2 =	vshrl.u32 v2, $0x10;
	[tilespmem:$0xA8B0] =	vst v3  }
0xef: {  	[tilespmem:$0xA9B0] =	vst v2  }
0xf0: {  	v2 =	vld [tilespmem:s6+$0xFFFFFFD0];
	_ =	sdelay $0x4  }
0xf1: {  	v3 =	vand.u32 $0xFFFF, v2  }
0xf2: {  	v2 =	vshrl.u32 v2, $0x10;
	[tilespmem:$0xA8C0] =	vst v3  }
0xf3: {  	[tilespmem:$0xA9C0] =	vst v2  }
0xf4: {  	v2 =	vld [tilespmem:s6+$0xFFFFFFE0];
	_ =	sdelay $0x4  }
0xf5: {  	v3 =	vand.u32 $0xFFFF, v2  }
0xf6: {  	v2 =	vshrl.u32 v2, $0x10;
	[tilespmem:$0xA8D0] =	vst v3  }
0xf7: {  	[tilespmem:$0xA9D0] =	vst v2  }
0xf8: {  	v2 =	vld [tilespmem:s6+$0xFFFFFFF0];
	_ =	sdelay $0x4  }
0xf9: {  	v3 =	vand.u32 $0xFFFF, v2  }
0xfa: {  	v2 =	vshrl.u32 v2, $0x10;
	[tilespmem:$0xA8E0] =	vst v3  }
0xfb: {  	[tilespmem:$0xA9E0] =	vst v2  }
0xfc: {  	v2 =	vld [tilespmem:s6+$0x0];
	_ =	sdelay $0x3  }
.Ltmp4:
0xfd: {  	_ = 	snop;
	(pc) =	sbr.rel .LBB2_4-.Ltmp4, $4  }
0xfe: {  	v3 =	vand.u32 $0xFFFF, v2  }
0xff: {  	v2 =	vshrl.u32 v2, $0x10;
	[tilespmem:$0xA8F0] =	vst v3  }
0x100: {  	s4 =	sadd.s32 $0x1, s4;
	s6 =	sadd.s32 $0x100, s6;
	[tilespmem:$0xA9F0] =	vst v2  }
0x101: {  	[tilespmem:s26], [sflag:$0x2] =	stream.indirect.gather [hbm4b:s5+s23], $0x80, s25, s23, $0xb8;
	[tilespmem:$0x1ED80] =	vst v63  }
.LBB2_7:
0x102: {  	_ =	sfence.sel $0x180000  }
0x103: {  	[bflag:$0x0] =	sbarrier.arrive $0xFFFF  }
0x104: {  	_ =	strace $0x90000047  }
0x105: {  	s0 =	stileid.u32;
	[bflag:$0x2] =	sbarrier.arrive $0xFFFF  }
0x106: {  	p0 =	sne.s32 s0, $0x0;
	s0 =	rddreg [dreg:$0x4]  }
0x107: {  	s0 =	sadd.s32 @!p0 $0x100000, s0  }
0x108: {  	[sflag:s0] =	ssyncadd.tile.s32 @!p0 $0x1;
	_ =	shalt  }
.Lfunc_end2:
_tile_overlayer_lowered:
.L_overlay_start_2:
0x109: {  	(tag) =	ssettag $0x2  }
0x10a: {  	s0 =	rddreg [dreg:$0x0];
	s2 =	stileid.u32  }
0x10b: {  	s1 =	rddreg [dreg:$0x1];
	p0 =	sne.s32 s2, $0x0  }
0x10c: {  	s3 =	rddreg [dreg:$0x2];
	[bflag:$0x3] =	sbarrier.arrive $0xFFFF;
	s2 =	simm.s32 @!p0 $0x1C05  }
0x10d: {  	[timem:s3], [sflag:s2] =	dma.local @!p0 [hbm:s0], s1  }
0x10e: {  	s0 =	simm.s32 @!p0 $0x5  }
0x10f: {  	_ =	swait.ge @!p0 [sflag:s0], s1  }
0x110: {  	s1 =	ssub.s32 @!p0 $0x0, s1;
	[sflag:s0] =	ssyncset.done @!p0 $0x0  }
0x111: {  	[sflag:s0] =	ssyncadd.s32 @!p0 s1  }
0x112: {  	[bflag:$0x3] =	sbarrier.arrive $0xFFFF  }
0x113: {  	_ =	shalt  }

// kernel: kernel.9.cloned.1.call-start
scs
__scs_entry_jumppad:
0x0: {  	(pc) =	sbr.rel $0x88, $3  }
0x1: {  	(tag) =	ssettag $0x0;
	lr =	simm.s32 $0x1  }
0x2: {  	[smem:$0x3F9A] =	sst lr;
	_ =	strace $0xD0000000  }
0x3: {  	_ = 	snop  }
0x4: {  	_ = 	snop  }
0x5: {  	_ = 	snop  }
0x6: {  	_ = 	snop  }
0x7: {  	_ = 	snop  }
__scs_overlays_trampoline_lowered:
0x8: {  	[smem:$0x3FA9] =	sst s0  }
0x9: {  	[smem:$0x3FAA] =	sst s1  }
0xa: {  	[smem:$0x3FAB] =	sst s2  }
0xb: {  	[smem:$0x3FAC] =	sst s3  }
0xc: {  	[smem:$0x3FAD] =	sst s4  }
0xd: {  	[smem:$0x3FAE] =	sst s5  }
0xe: {  	[smem:$0x3FAF] =	sst s6  }
0xf: {  	[smem:$0x3FB0] =	sst s7  }
0x10: {  	[smem:$0x3FB1] =	sst s8  }
0x11: {  	[smem:$0x3FB2] =	sst s9;
	s0 =	simm.s32 @!p0 $0x0  }
0x12: {  	s1 =	sld [smem:$0x3F98];
	s0 =	simm.s32 @p0 $0x1  }
0x13: {  	[smem:$0x3FB3] =	sst s0;
	s0 =	simm.s32 @!p1 $0x0  }
0x14: {  	s2 =	sld [smem:$0x3F97];
	s0 =	simm.s32 @p1 $0x1  }
0x15: {  	[smem:$0x3FB4] =	sst s0;
	s0 =	simm.s32 @!p2 $0x0  }
0x16: {  	s3 =	sld [smem:$0x3FDB];
	s0 =	simm.s32 @p2 $0x1  }
0x17: {  	s4 =	simm.s32 $0x1BF5;
	[smem:$0x3FB6] =	sst s0  }
0x18: {  	s0 =	sld [smem:$0x3F99];
	_ =	swait.ge [sflag:s4], $0x0  }
0x19: {  	s7 =	sld [smem:$0x3F9A]  }
0x1a: {  	s8 =	sadd.s32 $0xFFFFE003, lr  }
0x1b: {  	s9 =	sadd.s32 $0xFFFFFEF7, lr;
	s5 =	simm.s32 $0xFFFFFFFF;
	p2 =	slt.u32 s8, $0xFFFFF086  }
0x1c: {  	p1 =	slt.u32 s9, $0xF7A;
	s5 =	simm.s32 @!p2 $0x0  }
0x1d: {  	s5 =	simm.s32 @p1 $0x1;
	p0 =	seq.s32 s7, s2  }
0x1e: {  	s7 =	smul.u32 @!p0 $0xF7A, s2;
	p2 =	seq.s32 @!p0 s5, $0x0  }
0x1f: {  	s9 =	smul.u32 $0xF7A, s1;
	s8 =	simm.s32 @!p0 $0x1BF5;
	p2 =	por !p2, p0  }
0x20: {  	[sflag:s8] =	ssyncset.s32 @!p0 $0xFFFFF086;
	s6 =	sadd.s32 @!p0 s3, s7;
	s7 =	simm.s32 @!p0 $0x108  }
0x21: {  	s3 =	sadd.s32 s3, s9;
	s6 =	sadd.s32 @!p0 $0x88, s6;
	s7 =	simm.s32 @p2 $0x1082  }
0x22: {  	[simem:s7], [sflag:s8] =	dma.local @!p0 [hbm:s6], $0xF7A  }
0x23: {  	s9 =	sor.u32 $0xD0000000, s2;
	s6 =	simm.s32 $0x108;
	_ =	swait.ge @!p0 [sflag:s8], $0x0  }
0x24: {  	s3 =	sadd.s32 $0x88, s3;
	s6 =	simm.s32 @!p1 $0x1082;
	[sflag:s4] =	ssyncset.s32 $0xFFFFF086  }
0x25: {  	[simem:s6], [sflag:s4] =	dma.local [hbm:s3], $0xF7A  }
0x26: {  	[smem:$0x3F9A] =	sst s1;
	(tag) =	ssettag s2;
	_ =	strace s9  }
0x27: {  	s1 =	sld [smem:$0x3FAA]  }
0x28: {  	s2 =	sld [smem:$0x3FAB]  }
0x29: {  	s4 =	sld [smem:$0x3FAD]  }
0x2a: {  	p0 =	seq.s32 s5, $0x0;
	s5 =	sld [smem:$0x3FAE]  }
0x2b: {  	s6 =	sld [smem:$0x3FAF]  }
0x2c: {  	s7 =	sld [smem:$0x3FB0]  }
0x2d: {  	s3 =	simm.s32 $0x108;
	s8 =	sld [smem:$0x3FB1]  }
0x2e: {  	s3 =	simm.s32 @!p0 $0x1082;
	s9 =	sld [smem:$0x3FB2]  }
0x2f: {  	lr =	sadd.s32 s0, s3;
	s0 =	sld [smem:$0x3FA9]  }
0x30: {  	s3 =	sld [smem:$0x3FAC]  }
0x31: {  	[smem:$0x3FB5] =	sst s10  }
0x32: {  	s10 =	sld [smem:$0x3FB3];
	_ =	sdelay $0x3  }
0x33: {  	p0 =	seq.s32 s10, $0x1;
	s10 =	sld [smem:$0x3FB5];
	_ =	sdelay $0x3  }
0x34: {  	[smem:$0x3FB5] =	sst s10  }
0x35: {  	s10 =	sld [smem:$0x3FB4];
	_ =	sdelay $0x3  }
0x36: {  	p1 =	seq.s32 s10, $0x1;
	s10 =	sld [smem:$0x3FB5];
	_ =	sdelay $0x3  }
0x37: {  	[smem:$0x3FB5] =	sst s10  }
0x38: {  	s10 =	sld [smem:$0x3FB6]  }
0x39: {  	_ = 	snop;
	(pc) =	sbr.ind lr, $3  }
0x3a: {  	_ = 	snop  }
0x3b: {  	_ = 	snop  }
0x3c: {  	p2 =	seq.s32 s10, $0x1;
	s10 =	sld [smem:$0x3FB5]  }
0x3d: {  	_ =	shalt  }
0x3e: {  	_ =	shalt  }
0x3f: {  	_ =	shalt  }
0x40: {  	_ =	shalt  }
0x41: {  	_ =	shalt  }
0x42: {  	_ =	shalt  }
0x43: {  	_ =	shalt  }
0x44: {  	_ =	shalt  }
0x45: {  	_ =	shalt  }
0x46: {  	_ =	shalt  }
0x47: {  	_ =	shalt  }
0x48: {  	_ =	shalt  }
0x49: {  	_ =	shalt  }
0x4a: {  	_ =	shalt  }
0x4b: {  	_ =	shalt  }
0x4c: {  	_ =	shalt  }
0x4d: {  	_ =	shalt  }
0x4e: {  	_ =	shalt  }
0x4f: {  	_ =	shalt  }
0x50: {  	_ =	shalt  }
0x51: {  	_ =	shalt  }
0x52: {  	_ =	shalt  }
0x53: {  	_ =	shalt  }
0x54: {  	_ =	shalt  }
0x55: {  	_ =	shalt  }
0x56: {  	_ =	shalt  }
0x57: {  	_ =	shalt  }
0x58: {  	_ =	shalt  }
0x59: {  	_ =	shalt  }
0x5a: {  	_ =	shalt  }
0x5b: {  	_ =	shalt  }
0x5c: {  	_ =	shalt  }
0x5d: {  	_ =	shalt  }
0x5e: {  	_ =	shalt  }
0x5f: {  	_ =	shalt  }
0x60: {  	_ =	shalt  }
0x61: {  	_ =	shalt  }
0x62: {  	_ =	shalt  }
0x63: {  	_ =	shalt  }
0x64: {  	_ =	shalt  }
0x65: {  	_ =	shalt  }
0x66: {  	_ =	shalt  }
0x67: {  	_ =	shalt  }
0x68: {  	_ =	shalt  }
0x69: {  	_ =	shalt  }
0x6a: {  	_ =	shalt  }
0x6b: {  	_ =	shalt  }
0x6c: {  	_ =	shalt  }
0x6d: {  	_ =	shalt  }
0x6e: {  	_ =	shalt  }
0x6f: {  	_ =	shalt  }
0x70: {  	_ =	shalt  }
0x71: {  	_ =	shalt  }
0x72: {  	_ =	shalt  }
0x73: {  	_ =	shalt  }
0x74: {  	_ =	shalt  }
0x75: {  	_ =	shalt  }
0x76: {  	_ =	shalt  }
0x77: {  	_ =	shalt  }
0x78: {  	_ =	shalt  }
0x79: {  	_ =	shalt  }
0x7a: {  	_ =	shalt  }
0x7b: {  	_ =	shalt  }
0x7c: {  	_ =	shalt  }
0x7d: {  	_ =	shalt  }
0x7e: {  	_ =	shalt  }
0x7f: {  	_ =	shalt  }
0x80: {  	_ =	shalt  }
0x81: {  	_ =	shalt  }
0x82: {  	_ =	shalt  }
0x83: {  	_ =	shalt  }
0x84: {  	_ =	shalt  }
0x85: {  	_ =	shalt  }
0x86: {  	_ =	shalt  }
0x87: {  	_ =	shalt  }
.Lfunc_end0:
.L_simem_size_0:
called_computation.1_lowered:
.L_overlay_start_0:
0x88: {  	s2 =	sld [smem:$0x3FD9]  }
0x89: {  	s3 =	sld [smem:$0x3FFE];
	_ =	sdelay $0x1  }
0x8a: {  	s1 =	srdreg.scid  }
0x8b: {  	s0 =	sand.u32 $0x1, s1  }
0x8c: {  	s17 =	sshll.u32 s0, $0xA;
	s2 =	sadd.s32 s3, s2  }
0x8d: {  	s2 =	sadd.s32 s2, s17  }
0x8e: {  	[smem:$0x3FC1] =	sst s2  }
0x8f: {  	_ = 	snop  }
0x90: {  	s2 =	sld [smem:$0x3FD0];
	(tm) =	ssettm $0x1  }
0x91: {  	s18 =	sld [smem:$0x3FFB];
	_ =	sdelay $0x3  }
0x92: {  	_ =	strace s18  }
0x93: {  	s3 =	sld [smem:$0x3FFC];
	_ =	sdelay $0x3  }
0x94: {  	_ =	strace s3  }
0x95: {  	s3 =	sld [smem:$0x3FFD];
	_ =	sdelay $0x3  }
0x96: {  	_ =	strace s3  }
0x97: {  	_ =	strace $0x8FFFFFFF  }
0x98: {  	s19 =	sld [smem:$0x3FDB];
	_ =	sdelay $0x1  }
0x99: {  	s4 =	simm.s32 $_scs_section_size  }
0x9a: {  	s5 =	simm.s32 $_size__tile_overlayer_lowered;
	s6 =	simm.s32 $_tile_overlayer_lowered  }
0x9b: {  	s22 =	simm.s32 $0x1BFF;
	s21 =	sshll.u32 s6, $0x1;
	s3 =	sadd.s32 s4, s19  }
0x9c: {  	s7 =	simm.s32 $0x0;
	s20 =	sshll.u32 s5, $0x1;
	s5 =	sadd.s32 s21, s3  }
0x9d: {  	[timem:s7], [sflag:s22] =	dma.local [hbm:s5], s20  }
0x9e: {  	_ =	swait.ge [sflag:s22], s20  }
0x9f: {  	s4 =	ssub.s32 $0x0, s20;
	[sflag:s22] =	ssyncset.done $0x0  }
0xa0: {  	[sflag:s22] =	ssyncadd.s32 s4;
	_ =	sdelay $0x1  }
0xa1: {  	s23 =	simm.s32 $0x1B8B  }
0xa2: {  	_ =	swait.ge [sflag:s23], $0x1  }
0xa3: {  	[sflag:s23] =	ssyncset.done $0x0  }
0xa4: {  	s25 =	simm.s32 $0x1B8E;
	s24 =	sld [smem:$0x3FFE];
	[sflag:s23] =	ssyncadd.s32 $0xFFFFFFFF  }
0xa5: {  	s26 =	simm.s32 $execute0_lowered;
	[smem:$0x3FD2] =	sst s25  }
0xa6: {  	s5 =	sshll.u32 s26, $0x1;
	_ =	strace $0x80000049;
	[dreg:$0x1] =	wrdreg $0xFFFFFFFF  }
0xa7: {  	s28 =	simm.s32 $_size_execute0_lowered;
	s3 =	sadd.s32 s3, s5;
	[dreg:$0x0] =	wrdreg $0x0  }
0xa8: {  	s5 =	sshll.u32 s28, $0x1;
	[dreg:$0x2] =	wrdreg s3  }
0xa9: {  	[dreg:$0x3] =	wrdreg s5  }
0xaa: {  	[dreg:$0x4] =	wrdreg $0xC0  }
0xab: {  	_ =	task [dreg:s7], $0x5FFFF  }
0xac: {  	[dreg:$0x1] =	wrdreg $0xFFFFFFFF  }
0xad: {  	[dreg:$0x0] =	wrdreg $0x60  }
0xae: {  	[dreg:$0x2] =	wrdreg s2  }
0xaf: {  	[dreg:$0x3] =	wrdreg s24  }
0xb0: {  	[dreg:$0x4] =	wrdreg $0x96000  }
0xb1: {  	[dreg:$0x5] =	wrdreg $0x9  }
0xb2: {  	_ =	task.clear_ibuf [dreg:s7], $0x6FFFF;
	_ =	strace $0x90000049  }
0xb3: {  	s29 =	simm.s32 $0x9;
	_ =	strace $0x8000004B  }
0xb4: {  	_ =	swait.ge [sflag:s29], $0x1  }
0xb5: {  	[sflag:s29] =	ssyncadd.s32 $0xFFFFFFFF  }
0xb6: {  	_ =	strace $0x9000004B  }
0xb7: {  	_ =	sfence  }
0xb8: {  	s30 =	sld [smem:$0x0];
	_ =	sdelay $0x2  }
0xb9: {  	s31 =	sshll.u32 s1, $0xD;
	s1 =	sshrl.u32 s1, $0x2  }
0xba: {  	s3 =	sand.u32 $0x4000, s31;
	s1 =	sadd.s32 s1, s30  }
0xbb: {  	s0 =	sor.u32 s3, s0;
	s1 =	sshll.u32 s1, $0x11  }
0xbc: {  	s0 =	sor.u32 s1, s0  }
0xbd: {  	s0 =	sadd.s32 $0x8F2B, s0  }
0xbe: {  	[sflag:s0] =	ssyncadd.remote.s32 $0x1  }
0xbf: {  	_ =	sfence.sel $0xFFFF  }
0xc0: {  	[dreg:$0x0] =	wrdreg $0xFFFFFFFF;
	(pc) =	sbr.abs _section_cstart, $3  }
0xc1: {  	[dreg:$0x1] =	wrdreg $0xFFFFFFFF  }
0xc2: {  	_ =	task.clear_ibuf [dreg:s7], $0x2FFFF;
	_ =	strace $0x9FFFFFFF  }
0xc3: {  	(tm) =	ssettm $0x7FFFFFFF  }
tec
execute0_lowered:
.L_overlay_start_1:
0x0: {  	(tag) =	ssettag $0x1  }
0x1: {  	s5 =	rddreg [dreg:$0x0]  }
0x2: {  	s11 =	rddreg [dreg:$0x1]  }
0x3: {  	s1 =	rddreg [dreg:$0x2];
	s2 =	srdreg.scid  }
0x4: {  	s0 =	rddreg [dreg:$0x3];
	s3 =	simm.s32 $0x0;
	s13 =	simm.s32 $0xC9800  }
0x5: {  	s14 =	simm.s32 $0x1400;
	s15 =	simm.s32 $0x80;
	s16 =	simm.s32 $0x9400  }
0x6: {  	s17 =	simm.s32 $0x9480;
	s18 =	simm.s32 $0x5400;
	s19 =	simm.s32 $0x1  }
0x7: {  	s20 =	simm.s32 $0x9500;
	s21 =	simm.s32 $0x3;
	s22 =	simm.s32 $0x2  }
0x8: {  	s23 =	simm.s32 $0x9580;
	s24 =	simm.s32 $0x4;
	s7 =	sand.u32 $0x1, s2  }
0x9: {  	s25 =	simm.s32 $0x0;
	s2 =	stileid.u32;
	s6 =	smul.u32 $0x14000, s7  }
0xa: {  	[smem:$0x7FF] =	sst s3;
	s4 =	sadd.s32 $0x2A800, s11;
	s8 =	smul.u32 $0x1400, s2  }
0xb: {  	_ =	strace $0x8000004A;
	s9 =	smul.u32 $0x50000, s2;
	s10 =	ssub.s32 $0x2, s7  }
0xc: {  	p0 =	seq.s32 s7, $0x1;
	s12 =	smul.u32 $0x2800, s2;
	s31 =	sshrl.u32 s10, $0x1  }
0xd: {  	s13 =	simm.s32 @!p0 $0x51A00;
	s6 =	sadd.s32 s8, s6;
	s9 =	sshrl.u32 s9, $0x2  }
0xe: {  	s8 =	ssub.s32 s10, s31;
	s13 =	sadd.s32 s13, s11;
	s6 =	sshrl.u32 s6, $0x3  }
0xf: {  	s7 =	smax.u32 s8, $0x1;
	s5 =	sadd.s32 s5, s6;
	s6 =	sadd.s32 s9, s1  }
0x10: {  	s12 =	sadd.s32 s13, s12;
	s13 =	simm.s32 $0x5;
	s8 =	sadd.s32 $0x4000, s6  }
0x11: {  	v0 =	vimm.f32 $0.0e+00;
	s9 =	sadd.s32 $0x8000, s6;
	s10 =	sadd.s32 $0xC000, s6;
	s11 =	sadd.s32 $0x10000, s6  }
.LBB2_1:
0x12: {  	[tilespmem:s3], [sflag:$0x5] =	stream.linear.gather [hbm4b:s5+s3], $0x1400, $0x38;
	[tilespmem:$0x1D600] =	vst v63  }
0x13: {  	_ =	swait.ge [sflag:s13], $0x1400  }
0x14: {  	[sflag:s13] =	ssyncset.done $0x0  }
0x15: {  	s26 =	simm.s32 $0x0;
	s28 =	simm.s32 $0x200;
	[sflag:s13] =	ssyncadd.s32 $0xFFFFEC00  }
.LBB2_2:
0x16: {  	p0 =	sne.s32 s28, $0xFE00;
	[tilespmem:s26+$0x1470] =	vst v0  }
0x17: {  	[tilespmem:s26+$0x1400] =	vst v0  }
0x18: {  	[tilespmem:s26+$0x1410] =	vst v0  }
.Ltmp0:
0x19: {  	[tilespmem:s26+$0x1420] =	vst v0;
	(pc) =	sbr.rel @p0 .LBB2_2-.Ltmp0, $4  }
0x1a: {  	[tilespmem:s26+$0x1430] =	vst v0  }
0x1b: {  	[tilespmem:s26+$0x1440] =	vst v0  }
0x1c: {  	[tilespmem:s26+$0x1450] =	vst v0  }
0x1d: {  	[tilespmem:s26+$0x1460] =	vst v0;
	s26 =	sshra.s32 s28, $0x2;
	s28 =	sadd.s32 $0x200, s28  }
0x1e: {  	[tilespmem:s26+$0x1470] =	vst v0  }
0x1f: {  	[tilespmem:s26+$0x1400] =	vst v0  }
0x20: {  	[tilespmem:s26+$0x1410] =	vst v0  }
0x21: {  	[tilespmem:s26+$0x1420] =	vst v0  }
0x22: {  	[tilespmem:s26+$0x1430] =	vst v0  }
0x23: {  	[tilespmem:s26+$0x1440] =	vst v0  }
0x24: {  	[tilespmem:s26+$0x1450] =	vst v0  }
0x25: {  	[tilespmem:s26+$0x1460] =	vst v0  }
0x26: {  	[spmem:s6] =	stream.linear.scatter [tilespmem:s14], [sflag:$0x5], $0x4000, $0x38;
	[tilespmem:$0x1D600] =	vst v63  }
0x27: {  	_ =	swait.ge [sflag:s13], $0x4000  }
0x28: {  	[sflag:s13] =	ssyncset.done $0x0  }
0x29: {  	[sflag:s13] =	ssyncadd.s32 $0xFFFFC000  }
0x2a: {  	[spmem:s8] =	stream.linear.scatter [tilespmem:s14], [sflag:$0x5], $0x4000, $0x38;
	[tilespmem:$0x1D600] =	vst v63  }
0x2b: {  	_ =	swait.ge [sflag:s13], $0x4000  }
0x2c: {  	[sflag:s13] =	ssyncset.done $0x0  }
0x2d: {  	[sflag:s13] =	ssyncadd.s32 $0xFFFFC000  }
0x2e: {  	[spmem:s9] =	stream.linear.scatter [tilespmem:s14], [sflag:$0x5], $0x4000, $0x38;
	[tilespmem:$0x1D600] =	vst v63  }
0x2f: {  	_ =	swait.ge [sflag:s13], $0x4000  }
0x30: {  	[sflag:s13] =	ssyncset.done $0x0  }
0x31: {  	[sflag:s13] =	ssyncadd.s32 $0xFFFFC000  }
0x32: {  	[spmem:s10] =	stream.linear.scatter [tilespmem:s14], [sflag:$0x5], $0x4000, $0x38;
	[tilespmem:$0x1D600] =	vst v63  }
0x33: {  	_ =	swait.ge [sflag:s13], $0x4000  }
0x34: {  	[sflag:s13] =	ssyncset.done $0x0  }
0x35: {  	[sflag:s13] =	ssyncadd.s32 $0xFFFFC000  }
0x36: {  	[spmem:s11] =	stream.linear.scatter [tilespmem:s14], [sflag:$0x5], $0x4000, $0x38;
	[tilespmem:$0x1D600] =	vst v63  }
0x37: {  	_ =	swait.ge [sflag:s13], $0x4000  }
0x38: {  	[sflag:s13] =	ssyncset.done $0x0  }
0x39: {  	[sflag:s13] =	ssyncadd.s32 $0xFFFFC000  }
0x3a: {  	v1 =	vld [tilespmem:$0x0];
	_ =	sdelay $0x1  }
0x3b: {  	v2 =	vld [tilespmem:$0x10];
	_ =	sdelay $0x1  }
0x3c: {  	v3 =	vld [tilespmem:$0x20]  }
0x3d: {  	v4 =	vand.u32 $0xFFFF, v1  }
0x3e: {  	v59 =	vld [tilespmem:$0x30];
	v1 =	vshrl.u32 v1, $0x10;
	[tilespmem:$0x9400] =	vst v4  }
0x3f: {  	[tilespmem:$0x9500] =	vst v1;
	v1 =	vand.u32 $0xFFFF, v2  }
0x40: {  	[tilespmem:$0x9410] =	vst v1;
	v1 =	vshrl.u32 v2, $0x10;
	v2 =	vld [tilespmem:$0x40]  }
0x41: {  	[tilespmem:$0x9510] =	vst v1;
	v1 =	vand.u32 $0xFFFF, v3  }
0x42: {  	[tilespmem:$0x9420] =	vst v1;
	v1 =	vshrl.u32 v3, $0x10;
	v3 =	vld [tilespmem:$0x50]  }
0x43: {  	[tilespmem:$0x9520] =	vst v1;
	v1 =	vand.u32 $0xFFFF, v59  }
0x44: {  	v60 =	vld [tilespmem:$0x60];
	[tilespmem:$0x9430] =	vst v1;
	v1 =	vshrl.u32 v59, $0x10  }
0x45: {  	[tilespmem:$0x9530] =	vst v1;
	v1 =	vand.u32 $0xFFFF, v2  }
0x46: {  	[tilespmem:$0x9440] =	vst v1;
	v1 =	vshrl.u32 v2, $0x10;
	v2 =	vld [tilespmem:$0x70]  }
0x47: {  	[tilespmem:$0x9540] =	vst v1;
	v1 =	vand.u32 $0xFFFF, v3  }
0x48: {  	[tilespmem:$0x9450] =	vst v1;
	v1 =	vshrl.u32 v3, $0x10  }
0x49: {  	[tilespmem:$0x9550] =	vst v1;
	v1 =	vand.u32 $0xFFFF, v60  }
0x4a: {  	[tilespmem:$0x9460] =	vst v1;
	v1 =	vshrl.u32 v60, $0x10  }
0x4b: {  	[tilespmem:$0x9560] =	vst v1;
	v1 =	vand.u32 $0xFFFF, v2  }
0x4c: {  	[tilespmem:$0x9470] =	vst v1;
	v1 =	vshrl.u32 v2, $0x10  }
0x4d: {  	[tilespmem:$0x9570] =	vst v1  }
0x4e: {  	[tilespmem:s14], [sflag:$0x1] =	stream.indirect.gather [hbm4b:s4+s15], $0x80, s16, s15, $0xb8;
	[tilespmem:$0x1D600] =	vst v63  }
0x4f: {  	v1 =	vld [tilespmem:$0x80];
	_ =	sdelay $0x1  }
0x50: {  	v2 =	vld [tilespmem:$0x90];
	_ =	sdelay $0x1  }
0x51: {  	v3 =	vld [tilespmem:$0xA0]  }
0x52: {  	v61 =	vand.u32 $0xFFFF, v1  }
0x53: {  	v62 =	vld [tilespmem:$0xB0];
	v1 =	vshrl.u32 v1, $0x10;
	[tilespmem:$0x9480] =	vst v61  }
0x54: {  	[tilespmem:$0x9580] =	vst v1;
	v1 =	vand.u32 $0xFFFF, v2  }
0x55: {  	[tilespmem:$0x9490] =	vst v1;
	v1 =	vshrl.u32 v2, $0x10;
	v2 =	vld [tilespmem:$0xC0]  }
0x56: {  	[tilespmem:$0x9590] =	vst v1;
	v1 =	vand.u32 $0xFFFF, v3  }
0x57: {  	[tilespmem:$0x94A0] =	vst v1;
	v1 =	vshrl.u32 v3, $0x10;
	v3 =	vld [tilespmem:$0xD0]  }
0x58: {  	[tilespmem:$0x95A0] =	vst v1;
	v1 =	vand.u32 $0xFFFF, v62  }
0x59: {  	v63 =	vld [tilespmem:$0xE0];
	[tilespmem:$0x94B0] =	vst v1;
	v1 =	vshrl.u32 v62, $0x10  }
0x5a: {  	[tilespmem:$0x95B0] =	vst v1;
	v1 =	vand.u32 $0xFFFF, v2  }
0x5b: {  	[tilespmem:$0x94C0] =	vst v1;
	v1 =	vshrl.u32 v2, $0x10;
	v2 =	vld [tilespmem:$0xF0]  }
0x5c: {  	[tilespmem:$0x95C0] =	vst v1;
	v1 =	vand.u32 $0xFFFF, v3  }
0x5d: {  	[tilespmem:$0x94D0] =	vst v1;
	v1 =	vshrl.u32 v3, $0x10  }
0x5e: {  	[tilespmem:$0x95D0] =	vst v1;
	v1 =	vand.u32 $0xFFFF, v63  }
0x5f: {  	[tilespmem:$0x94E0] =	vst v1;
	v1 =	vshrl.u32 v63, $0x10  }
0x60: {  	[tilespmem:$0x95E0] =	vst v1;
	v1 =	vand.u32 $0xFFFF, v2  }
0x61: {  	[tilespmem:$0x94F0] =	vst v1;
	v1 =	vshrl.u32 v2, $0x10  }
0x62: {  	[tilespmem:$0x95F0] =	vst v1  }
0x63: {  	[tilespmem:s18], [sflag:$0x2] =	stream.indirect.gather [hbm4b:s4+s15], $0x80, s17, s15, $0xb8;
	[tilespmem:$0x1D600] =	vst v63  }
0x64: {  	[bflag:$0x0] =	sbarrier.arrive $0xFFFF  }
0x65: {  	_ =	swait.ge [sflag:s19], $0x4000  }
0x66: {  	[sflag:s19] =	ssyncset.done $0x0  }
0x67: {  	[sflag:s19] =	ssyncadd.s32 $0xFFFFC000  }
0x68: {  	[spmem:s1] =	stream.indirect.scatter.add.f32 [tilespmem:s14], [sflag:$0x3], $0x80, s20, s15, $0xb8;
	[tilespmem:$0x1D600] =	vst v63  }
0x69: {  	_ =	swait.ge [sflag:s21], $0x4000  }
0x6a: {  	[sflag:s21] =	ssyncset.done $0x0  }
0x6b: {  	s26 =	simm.s32 $0x0;
	[sflag:s21] =	ssyncadd.s32 $0xFFFFC000  }
0x6c: {  	v1 =	vld [tilespmem:s26+$0x100];
	_ =	sdelay $0x4  }
0x6d: {  	v2 =	vand.u32 $0xFFFF, v1  }
0x6e: {  	v1 =	vshrl.u32 v1, $0x10;
	[tilespmem:$0x9400] =	vst v2  }
0x6f: {  	[tilespmem:$0x9500] =	vst v1  }
0x70: {  	v1 =	vld [tilespmem:s26+$0x110];
	_ =	sdelay $0x4  }
0x71: {  	v2 =	vand.u32 $0xFFFF, v1  }
0x72: {  	v1 =	vshrl.u32 v1, $0x10;
	[tilespmem:$0x9410] =	vst v2  }
0x73: {  	[tilespmem:$0x9510] =	vst v1  }
0x74: {  	v1 =	vld [tilespmem:s26+$0x120];
	_ =	sdelay $0x4  }
0x75: {  	v2 =	vand.u32 $0xFFFF, v1  }
0x76: {  	v1 =	vshrl.u32 v1, $0x10;
	[tilespmem:$0x9420] =	vst v2  }
0x77: {  	[tilespmem:$0x9520] =	vst v1  }
0x78: {  	v1 =	vld [tilespmem:s26+$0x130];
	_ =	sdelay $0x4  }
0x79: {  	v2 =	vand.u32 $0xFFFF, v1  }
0x7a: {  	v1 =	vshrl.u32 v1, $0x10;
	[tilespmem:$0x9430] =	vst v2  }
0x7b: {  	[tilespmem:$0x9530] =	vst v1  }
0x7c: {  	v1 =	vld [tilespmem:s26+$0x140];
	_ =	sdelay $0x4  }
0x7d: {  	v2 =	vand.u32 $0xFFFF, v1  }
0x7e: {  	v1 =	vshrl.u32 v1, $0x10;
	[tilespmem:$0x9440] =	vst v2  }
0x7f: {  	[tilespmem:$0x9540] =	vst v1  }
0x80: {  	v1 =	vld [tilespmem:s26+$0x150];
	_ =	sdelay $0x4  }
0x81: {  	v2 =	vand.u32 $0xFFFF, v1  }
0x82: {  	v1 =	vshrl.u32 v1, $0x10;
	[tilespmem:$0x9450] =	vst v2  }
0x83: {  	[tilespmem:$0x9550] =	vst v1  }
0x84: {  	v1 =	vld [tilespmem:s26+$0x160];
	_ =	sdelay $0x4  }
0x85: {  	v2 =	vand.u32 $0xFFFF, v1  }
0x86: {  	v1 =	vshrl.u32 v1, $0x10;
	[tilespmem:$0x9460] =	vst v2  }
0x87: {  	[tilespmem:$0x9560] =	vst v1  }
0x88: {  	v1 =	vld [tilespmem:s26+$0x170];
	_ =	sdelay $0x4  }
0x89: {  	v2 =	vand.u32 $0xFFFF, v1  }
0x8a: {  	v1 =	vshrl.u32 v1, $0x10;
	[tilespmem:$0x9470] =	vst v2  }
0x8b: {  	[tilespmem:$0x9570] =	vst v1  }
0x8c: {  	[tilespmem:s14], [sflag:$0x1] =	stream.indirect.gather [hbm4b:s4+s15], $0x80, s16, s15, $0xb8;
	[tilespmem:$0x1D600] =	vst v63  }
0x8d: {  	_ =	swait.ge [sflag:s22], $0x4000  }
0x8e: {  	[sflag:s22] =	ssyncset.done $0x0  }
0x8f: {  	[sflag:s22] =	ssyncadd.s32 $0xFFFFC000  }
0x90: {  	[spmem:s1] =	stream.indirect.scatter.add.f32 [tilespmem:s18], [sflag:$0x4], $0x80, s23, s15, $0xb8;
	[tilespmem:$0x1D600] =	vst v63  }
0x91: {  	_ =	swait.ge [sflag:s24], $0x4000  }
0x92: {  	[sflag:s24] =	ssyncset.done $0x0  }
0x93: {  	[sflag:s24] =	ssyncadd.s32 $0xFFFFC000  }
0x94: {  	v1 =	vld [tilespmem:s26+$0x180];
	_ =	sdelay $0x4  }
0x95: {  	v2 =	vand.u32 $0xFFFF, v1  }
0x96: {  	v1 =	vshrl.u32 v1, $0x10;
	[tilespmem:$0x9480] =	vst v2  }
0x97: {  	[tilespmem:$0x9580] =	vst v1  }
0x98: {  	v1 =	vld [tilespmem:s26+$0x190];
	_ =	sdelay $0x4  }
0x99: {  	v2 =	vand.u32 $0xFFFF, v1  }
0x9a: {  	v1 =	vshrl.u32 v1, $0x10;
	[tilespmem:$0x9490] =	vst v2  }
0x9b: {  	[tilespmem:$0x9590] =	vst v1  }
0x9c: {  	v1 =	vld [tilespmem:s26+$0x1A0];
	_ =	sdelay $0x4  }
0x9d: {  	v2 =	vand.u32 $0xFFFF, v1  }
0x9e: {  	v1 =	vshrl.u32 v1, $0x10;
	[tilespmem:$0x94A0] =	vst v2  }
0x9f: {  	[tilespmem:$0x95A0] =	vst v1  }
0xa0: {  	v1 =	vld [tilespmem:s26+$0x1B0];
	_ =	sdelay $0x4  }
0xa1: {  	v2 =	vand.u32 $0xFFFF, v1  }
0xa2: {  	v1 =	vshrl.u32 v1, $0x10;
	[tilespmem:$0x94B0] =	vst v2  }
0xa3: {  	[tilespmem:$0x95B0] =	vst v1  }
0xa4: {  	v1 =	vld [tilespmem:s26+$0x1C0];
	_ =	sdelay $0x4  }
0xa5: {  	v2 =	vand.u32 $0xFFFF, v1  }
0xa6: {  	v1 =	vshrl.u32 v1, $0x10;
	[tilespmem:$0x94C0] =	vst v2  }
0xa7: {  	[tilespmem:$0x95C0] =	vst v1  }
0xa8: {  	v1 =	vld [tilespmem:s26+$0x1D0];
	_ =	sdelay $0x4  }
0xa9: {  	v2 =	vand.u32 $0xFFFF, v1  }
0xaa: {  	v1 =	vshrl.u32 v1, $0x10;
	[tilespmem:$0x94D0] =	vst v2  }
0xab: {  	[tilespmem:$0x95D0] =	vst v1  }
0xac: {  	s28 =	simm.s32 $0x400;
	v1 =	vld [tilespmem:s26+$0x1E0]  }
.LBB2_4:
0xad: {  	_ =	sdelay $0x2  }
0xae: {  	p0 =	sne.s32 s28, $0x4800;
	s29 =	smov.u32 s28;
	s28 =	sadd.s32 $0x400, s28  }
0xaf: {  	v2 =	vand.u32 $0xFFFF, v1;
	v1 =	vshrl.u32 v1, $0x10  }
0xb0: {  	[tilespmem:$0x94E0] =	vst v2  }
0xb1: {  	[tilespmem:$0x95E0] =	vst v1  }
0xb2: {  	v1 =	vld [tilespmem:s26+$0x1F0];
	_ =	sdelay $0x4  }
0xb3: {  	v2 =	vand.u32 $0xFFFF, v1;
	v1 =	vshrl.u32 v1, $0x10  }
0xb4: {  	[tilespmem:$0x94F0] =	vst v2  }
0xb5: {  	[tilespmem:$0x95F0] =	vst v1  }
0xb6: {  	[tilespmem:s18], [sflag:$0x2] =	stream.indirect.gather [hbm4b:s4+s15], $0x80, s17, s15, $0xb8;
	[tilespmem:$0x1D600] =	vst v63  }
0xb7: {  	_ =	swait.ge [sflag:s19], $0x4000  }
0xb8: {  	[sflag:s19] =	ssyncset.done $0x0  }
0xb9: {  	[sflag:s19] =	ssyncadd.s32 $0xFFFFC000  }
0xba: {  	[spmem:s1] =	stream.indirect.scatter.add.f32 [tilespmem:s14], [sflag:$0x3], $0x80, s20, s15, $0xb8;
	[tilespmem:$0x1D600] =	vst v63  }
0xbb: {  	_ =	swait.ge [sflag:s21], $0x4000  }
0xbc: {  	[sflag:s21] =	ssyncset.done $0x0  }
0xbd: {  	s26 =	sshra.s32 s29, $0x2;
	[sflag:s21] =	ssyncadd.s32 $0xFFFFC000  }
0xbe: {  	v1 =	vld [tilespmem:s26+$0x100];
	_ =	sdelay $0x4  }
0xbf: {  	v2 =	vand.u32 $0xFFFF, v1;
	v1 =	vshrl.u32 v1, $0x10  }
0xc0: {  	[tilespmem:$0x9400] =	vst v2  }
0xc1: {  	[tilespmem:$0x9500] =	vst v1  }
0xc2: {  	v1 =	vld [tilespmem:s26+$0x110];
	_ =	sdelay $0x4  }
0xc3: {  	v2 =	vand.u32 $0xFFFF, v1;
	v1 =	vshrl.u32 v1, $0x10  }
0xc4: {  	[tilespmem:$0x9410] =	vst v2  }
0xc5: {  	[tilespmem:$0x9510] =	vst v1  }
0xc6: {  	v1 =	vld [tilespmem:s26+$0x120];
	_ =	sdelay $0x4  }
0xc7: {  	v2 =	vand.u32 $0xFFFF, v1;
	v1 =	vshrl.u32 v1, $0x10  }
0xc8: {  	[tilespmem:$0x9420] =	vst v2  }
0xc9: {  	[tilespmem:$0x9520] =	vst v1  }
0xca: {  	v1 =	vld [tilespmem:s26+$0x130];
	_ =	sdelay $0x4  }
0xcb: {  	v2 =	vand.u32 $0xFFFF, v1;
	v1 =	vshrl.u32 v1, $0x10  }
0xcc: {  	[tilespmem:$0x9430] =	vst v2  }
0xcd: {  	[tilespmem:$0x9530] =	vst v1  }
0xce: {  	v1 =	vld [tilespmem:s26+$0x140];
	_ =	sdelay $0x4  }
0xcf: {  	v2 =	vand.u32 $0xFFFF, v1;
	v1 =	vshrl.u32 v1, $0x10  }
0xd0: {  	[tilespmem:$0x9440] =	vst v2  }
0xd1: {  	[tilespmem:$0x9540] =	vst v1  }
0xd2: {  	v1 =	vld [tilespmem:s26+$0x150];
	_ =	sdelay $0x4  }
0xd3: {  	v2 =	vand.u32 $0xFFFF, v1;
	v1 =	vshrl.u32 v1, $0x10  }
0xd4: {  	[tilespmem:$0x9450] =	vst v2  }
0xd5: {  	[tilespmem:$0x9550] =	vst v1  }
0xd6: {  	v1 =	vld [tilespmem:s26+$0x160];
	_ =	sdelay $0x4  }
0xd7: {  	v2 =	vand.u32 $0xFFFF, v1;
	v1 =	vshrl.u32 v1, $0x10  }
0xd8: {  	[tilespmem:$0x9460] =	vst v2  }
0xd9: {  	[tilespmem:$0x9560] =	vst v1  }
0xda: {  	v1 =	vld [tilespmem:s26+$0x170];
	_ =	sdelay $0x4  }
0xdb: {  	v2 =	vand.u32 $0xFFFF, v1;
	v1 =	vshrl.u32 v1, $0x10  }
0xdc: {  	[tilespmem:$0x9470] =	vst v2  }
0xdd: {  	[tilespmem:$0x9570] =	vst v1  }
0xde: {  	[tilespmem:s14], [sflag:$0x1] =	stream.indirect.gather [hbm4b:s4+s15], $0x80, s16, s15, $0xb8;
	[tilespmem:$0x1D600] =	vst v63  }
0xdf: {  	_ =	swait.ge [sflag:s22], $0x4000  }
0xe0: {  	[sflag:s22] =	ssyncset.done $0x0  }
0xe1: {  	[sflag:s22] =	ssyncadd.s32 $0xFFFFC000  }
0xe2: {  	[spmem:s1] =	stream.indirect.scatter.add.f32 [tilespmem:s18], [sflag:$0x4], $0x80, s23, s15, $0xb8;
	[tilespmem:$0x1D600] =	vst v63  }
0xe3: {  	_ =	swait.ge [sflag:s24], $0x4000  }
0xe4: {  	[sflag:s24] =	ssyncset.done $0x0  }
0xe5: {  	[sflag:s24] =	ssyncadd.s32 $0xFFFFC000  }
0xe6: {  	v1 =	vld [tilespmem:s26+$0x180];
	_ =	sdelay $0x4  }
0xe7: {  	v2 =	vand.u32 $0xFFFF, v1;
	v1 =	vshrl.u32 v1, $0x10  }
0xe8: {  	[tilespmem:$0x9480] =	vst v2  }
0xe9: {  	[tilespmem:$0x9580] =	vst v1  }
0xea: {  	v1 =	vld [tilespmem:s26+$0x190];
	_ =	sdelay $0x4  }
0xeb: {  	v2 =	vand.u32 $0xFFFF, v1;
	v1 =	vshrl.u32 v1, $0x10  }
0xec: {  	[tilespmem:$0x9490] =	vst v2  }
0xed: {  	[tilespmem:$0x9590] =	vst v1  }
0xee: {  	v1 =	vld [tilespmem:s26+$0x1A0];
	_ =	sdelay $0x4  }
0xef: {  	v2 =	vand.u32 $0xFFFF, v1;
	v1 =	vshrl.u32 v1, $0x10  }
0xf0: {  	[tilespmem:$0x94A0] =	vst v2  }
0xf1: {  	[tilespmem:$0x95A0] =	vst v1  }
0xf2: {  	v1 =	vld [tilespmem:s26+$0x1B0];
	_ =	sdelay $0x4  }
0xf3: {  	v2 =	vand.u32 $0xFFFF, v1;
	v1 =	vshrl.u32 v1, $0x10  }
0xf4: {  	[tilespmem:$0x94B0] =	vst v2  }
0xf5: {  	[tilespmem:$0x95B0] =	vst v1  }
0xf6: {  	v1 =	vld [tilespmem:s26+$0x1C0];
	_ =	sdelay $0x4  }
0xf7: {  	v2 =	vand.u32 $0xFFFF, v1;
	v1 =	vshrl.u32 v1, $0x10  }
0xf8: {  	[tilespmem:$0x94C0] =	vst v2  }
0xf9: {  	[tilespmem:$0x95C0] =	vst v1  }
0xfa: {  	v1 =	vld [tilespmem:s26+$0x1D0];
	_ =	sdelay $0x3  }
.Ltmp1:
0xfb: {  	(pc) =	sbr.rel @p0 .LBB2_4-.Ltmp1, $4  }
0xfc: {  	v2 =	vand.u32 $0xFFFF, v1;
	v1 =	vshrl.u32 v1, $0x10  }
0xfd: {  	[tilespmem:$0x94D0] =	vst v2  }
0xfe: {  	[tilespmem:$0x95D0] =	vst v1  }
0xff: {  	v1 =	vld [tilespmem:s26+$0x1E0]  }
0x100: {  	_ =	sdelay $0x3  }
0x101: {  	v2 =	vand.u32 $0xFFFF, v1  }
0x102: {  	v1 =	vshrl.u32 v1, $0x10;
	[tilespmem:$0x94E0] =	vst v2  }
0x103: {  	[tilespmem:$0x95E0] =	vst v1  }
0x104: {  	v1 =	vld [tilespmem:s26+$0x1F0];
	_ =	sdelay $0x4  }
0x105: {  	v2 =	vand.u32 $0xFFFF, v1  }
0x106: {  	v1 =	vshrl.u32 v1, $0x10;
	[tilespmem:$0x94F0] =	vst v2  }
0x107: {  	[tilespmem:$0x95F0] =	vst v1  }
0x108: {  	[tilespmem:s18], [sflag:$0x2] =	stream.indirect.gather [hbm4b:s4+s15], $0x80, s17, s15, $0xb8;
	[tilespmem:$0x1D600] =	vst v63  }
0x109: {  	_ =	swait.ge [sflag:s19], $0x4000  }
0x10a: {  	[sflag:s19] =	ssyncset.done $0x0  }
0x10b: {  	[sflag:s19] =	ssyncadd.s32 $0xFFFFC000  }
0x10c: {  	[spmem:s1] =	stream.indirect.scatter.add.f32 [tilespmem:s14], [sflag:$0x3], $0x80, s20, s15, $0xb8;
	[tilespmem:$0x1D600] =	vst v63  }
0x10d: {  	_ =	swait.ge [sflag:s22], $0x4000  }
0x10e: {  	[sflag:s22] =	ssyncset.done $0x0  }
0x10f: {  	[sflag:s22] =	ssyncadd.s32 $0xFFFFC000  }
0x110: {  	[spmem:s1] =	stream.indirect.scatter.add.f32 [tilespmem:s18], [sflag:$0x4], $0x80, s23, s15, $0xb8;
	[tilespmem:$0x1D600] =	vst v63  }
0x111: {  	_ =	swait.ge [sflag:s21], $0x4000  }
0x112: {  	[sflag:s21] =	ssyncset.done $0x0  }
0x113: {  	[sflag:s21] =	ssyncadd.s32 $0xFFFFC000  }
0x114: {  	_ =	swait.ge [sflag:s24], $0x4000  }
0x115: {  	s31 =	sshll.u32 s2, $0x6;
	s25 =	sadd.s32 $0x1, s25;
	[sflag:s24] =	ssyncset.done $0x0  }
0x116: {  	s28 =	sshrl.u32 s6, $0x3;
	p0 =	sne.s32 s25, s7;
	[sflag:s24] =	ssyncadd.s32 $0xFFFFC000  }
.Ltmp2:
0x117: {  	s26 =	sor.u32 $0x1C05, s31;
	[bflag:$0x0] =	sbarrier.arrive $0xFFFF;
	(pc) =	sbr.rel @p0 .LBB2_1-.Ltmp2, $4  }
0x118: {  	[hbm:s12], [sflag:s26] =	dma.local [spmem:s28], $0x2800  }
0x119: {  	_ =	swait.ge [sflag:s13], $0x2800  }
0x11a: {  	[sflag:s13] =	ssyncset.done $0x0  }
0x11b: {  	[sflag:s13] =	ssyncadd.s32 $0xFFFFD800  }
0x11c: {  	_ =	sfence.sel $0x180000  }
0x11d: {  	[bflag:$0x0] =	sbarrier.arrive $0xFFFF  }
0x11e: {  	p0 =	sne.s32 s2, $0x0;
	_ =	strace $0x9000004A  }
0x11f: {  	s0 =	sadd.s32 @!p0 $0x100000, s0;
	[bflag:$0x2] =	sbarrier.arrive $0xFFFF  }
0x120: {  	[sflag:s0] =	ssyncadd.tile.s32 @!p0 $0x1;
	_ =	shalt  }
.Lfunc_end2:
_tile_overlayer_lowered:
.L_overlay_start_2:
0x121: {  	(tag) =	ssettag $0x2  }
0x122: {  	s0 =	rddreg [dreg:$0x0];
	s2 =	stileid.u32  }
0x123: {  	s1 =	rddreg [dreg:$0x1];
	p0 =	sne.s32 s2, $0x0  }
0x124: {  	s3 =	rddreg [dreg:$0x2];
	[bflag:$0x3] =	sbarrier.arrive $0xFFFF;
	s2 =	simm.s32 @!p0 $0x1C05  }
0x125: {  	[timem:s3], [sflag:s2] =	dma.local @!p0 [hbm:s0], s1  }
0x126: {  	s0 =	simm.s32 @!p0 $0x5  }
0x127: {  	_ =	swait.ge @!p0 [sflag:s0], s1  }
0x128: {  	s1 =	ssub.s32 @!p0 $0x0, s1;
	[sflag:s0] =	ssyncset.done @!p0 $0x0  }
0x129: {  	[sflag:s0] =	ssyncadd.s32 @!p0 s1  }
0x12a: {  	[bflag:$0x3] =	sbarrier.arrive $0xFFFF  }
0x12b: {  	_ =	shalt  }

</sc_bundles>
